<compile_context>
chip_gen: v7x
topology: tpu7x:2x2x1
jax: 0.10.2.dev20260603
libtpu: 0.0.44.dev20260713+nightly
codegen_flags: <defaults>
</compile_context>

<pallas_src>
import functools

import jax
import jax.numpy as jnp
from jax import lax
from jax.experimental import pallas as pl
from jax.experimental.pallas import tpu as pltpu
from jax.experimental.pallas import tpu_sc as plsc

NUM_CL = 5
NUM_BINS = 256
B, C, H, W = 16, 3, 512, 512
NPIX = B * H * W
NBINS_J = NUM_CL * NUM_BINS
BH = B // 2

SC_NC = 2
SC_NS = 16
NW = SC_NC * SC_NS
NPW = (NPIX // 4) // NW
CHUNK = NPW // 2


def _minmax_body(x_ref, mn_ref, mx_ref):
    x = x_ref[...]
    mn_ref[...] = jnp.full((1, 1, 128), jnp.min(x), jnp.float32)
    mx_ref[...] = jnp.full((1, 1, 128), jnp.max(x), jnp.float32)


def _minmax(x):
    return pl.pallas_call(
        _minmax_body,
        grid=(B,),
        in_specs=[pl.BlockSpec((1, C, H, W), lambda i: (i, 0, 0, 0))],
        out_specs=[
            pl.BlockSpec((1, 1, 128), lambda i: (i, 0, 0)),
            pl.BlockSpec((1, 1, 128), lambda i: (i, 0, 0)),
        ],
        out_shape=[
            jax.ShapeDtypeStruct((B, 1, 128), jnp.float32),
            jax.ShapeDtypeStruct((B, 1, 128), jnp.float32),
        ],
    )(x)


def _joint_body(x_ref, m_ref, mn_ref, mx_ref, o_ref):
    mn = mn_ref[0][:, 0:1]
    mx = mx_ref[0][:, 0:1]
    d = (mx - mn) + jnp.float32(1e-9)
    x = x_ref[0]
    nr = (x[0] - mn) / d
    ng = (x[1] - mn) / d
    nb = (x[2] - mn) / d
    gray = nr * jnp.float32(0.299) + ng * jnp.float32(0.587)
    gray = gray + nb * jnp.float32(0.114)
    q = (gray * jnp.float32(255.0)).astype(jnp.int32)
    m = m_ref[0]
    mm = jnp.maximum(jnp.maximum(jnp.maximum(jnp.maximum(m[0], m[1]), m[2]), m[3]), m[4])
    cls = jnp.full(q.shape, 4, jnp.int32)
    for c in (3, 2, 1, 0):
        cls = jnp.where(m[c] == mm, jnp.int32(c), cls)
    joint = cls * NUM_BINS + q
    o_ref[0, 0:512] = jnp.bitwise_or(
        joint[:, 0:128], lax.shift_left(joint[:, 128:256], 16))
    o_ref[0, 512:1024] = jnp.bitwise_or(
        joint[:, 256:384], lax.shift_left(joint[:, 384:512], 16))


def _joint_half(x, m, mn, mx, img_base):
    return pl.pallas_call(
        _joint_body,
        grid=(BH,),
        in_specs=[
            pl.BlockSpec((1, C, H, W), lambda i: (img_base + i, 0, 0, 0)),
            pl.BlockSpec((1, NUM_CL, H, W), lambda i: (img_base + i, 0, 0, 0)),
            pl.BlockSpec((1, 1, 128), lambda i: (img_base + i, 0, 0)),
            pl.BlockSpec((1, 1, 128), lambda i: (img_base + i, 0, 0)),
        ],
        out_specs=pl.BlockSpec((1, 1024, 128), lambda i: (i, 0, 0)),
        out_shape=jax.ShapeDtypeStruct((BH, 1024, 128), jnp.int32),
    )(x, m, mn, mx)


def _sc_process(buf, lanehist, laneoff, ones):

    @plsc.parallel_loop(0, CHUNK // 16, 1, unroll=8)
    def _(j):
        v = buf[pl.ds(j * 16, 16)]
        lo = jnp.bitwise_and(v, jnp.int32(0xFFFF))
        hi = lax.shift_right_logical(v, 16)
        plsc.addupdate_scatter(lanehist, [lo + laneoff], ones)
        plsc.addupdate_scatter(lanehist, [hi + laneoff], ones)


def _sc_hist_body(joint_hbm, out_hbm, buf0, buf1, lanehist, outbuf,
                  sem0, sem1):
    wid = lax.axis_index("s") * SC_NC + lax.axis_index("c")
    start = wid * NPW
    laneoff = lax.iota(jnp.int32, 16) * NBINS_J
    ones = jnp.ones((16,), jnp.int32)
    zeros16 = jnp.zeros((16,), jnp.int32)

    c0 = pltpu.async_copy(joint_hbm.at[pl.ds(start, CHUNK)], buf0, sem0)
    c1 = pltpu.async_copy(joint_hbm.at[pl.ds(start + CHUNK, CHUNK)], buf1, sem1)

    @plsc.parallel_loop(0, (16 * NBINS_J) // 16, 1, unroll=8)
    def _(i):
        lanehist[pl.ds(i * 16, 16)] = zeros16

    c0.wait()
    _sc_process(buf0, lanehist, laneoff, ones)
    c1.wait()
    _sc_process(buf1, lanehist, laneoff, ones)

    @plsc.parallel_loop(0, NBINS_J // 16, 1, unroll=2)
    def _(i):
        acc = lanehist[pl.ds(i * 16, 16)]
        for l in range(1, 16):
            acc = acc + lanehist[pl.ds(l * NBINS_J + i * 16, 16)]
        outbuf[pl.ds(i * 16, 16)] = acc
    pltpu.sync_copy(outbuf, out_hbm.at[wid])


_SC_FN_CACHE = {}


def _sc_hist(joint_flat):
    f = _SC_FN_CACHE.get("f")
    if f is None:
        mesh = plsc.VectorSubcoreMesh(
            core_axis_name="c", subcore_axis_name="s",
            num_cores=SC_NC, num_subcores=SC_NS,
        )
        f = pl.kernel(
            _sc_hist_body,
            out_type=jax.ShapeDtypeStruct((NW, NBINS_J), jnp.int32),
            mesh=mesh,
            scratch_types=[
                pltpu.VMEM((CHUNK,), jnp.int32),
                pltpu.VMEM((CHUNK,), jnp.int32),
                pltpu.VMEM((16 * NBINS_J,), jnp.int32),
                pltpu.VMEM((NBINS_J,), jnp.int32),
                pltpu.SemaphoreType.DMA,
                pltpu.SemaphoreType.DMA,
            ],
            compiler_params=pltpu.CompilerParams(needs_layout_passes=False),
        )
        _SC_FN_CACHE["f"] = f
    return f(joint_flat)


def _final_body(pa_ref, pb_ref, pj_ref, pi_ref, pm_ref, pim_ref, pmi_ref):
    s = pa_ref[...] + pb_ref[...]
    com = jnp.sum(s, axis=0, keepdims=True)
    zc = (com[0:1, 0:1] + com[0:1, 256:257] + com[0:1, 512:513]
          + com[0:1, 768:769] + com[0:1, 1024:1025])
    col = lax.broadcasted_iota(jnp.int32, (1, NBINS_J), 1)
    com = jnp.where(col % NUM_BINS == 0, zc, com)
    p_joint = com.astype(jnp.float32) / jnp.float32(NPIX)
    cls_slices = [p_joint[0:1, c * NUM_BINS:(c + 1) * NUM_BINS]
                  for c in range(NUM_CL)]
    p_img = ((cls_slices[0] + cls_slices[1]) + cls_slices[2])
    p_img = (p_img + cls_slices[3]) + cls_slices[4]
    p_mask_s = [jnp.sum(cs) for cs in cls_slices]
    eps = jnp.float32(1e-9)
    pj_ref[...] = p_joint
    pi_ref[...] = p_img
    pm_ref[...] = jnp.concatenate(
        [jnp.full((1, 1), pv, jnp.float32) for pv in p_mask_s], axis=0)
    pim_ref[...] = jnp.concatenate(
        [cs / (pv + eps) for cs, pv in zip(cls_slices, p_mask_s)], axis=1)
    pmi_ref[...] = p_joint / (jnp.concatenate([p_img] * NUM_CL, axis=1) + eps)


def _finalize(parts_a, parts_b):
    return pl.pallas_call(
        _final_body,
        out_shape=[
            jax.ShapeDtypeStruct((1, NBINS_J), jnp.float32),
            jax.ShapeDtypeStruct((1, NUM_BINS), jnp.float32),
            jax.ShapeDtypeStruct((NUM_CL, 1), jnp.float32),
            jax.ShapeDtypeStruct((1, NBINS_J), jnp.float32),
            jax.ShapeDtypeStruct((1, NBINS_J), jnp.float32),
        ],
    )(parts_a, parts_b)


def kernel(input, mask):
    mn, mx = _minmax(input)
    joint_a = _joint_half(input, mask, mn, mx, 0)
    parts_a = _sc_hist(joint_a.reshape(NPIX // 4))
    joint_b = _joint_half(input, mask, mn, mx, BH)
    parts_b = _sc_hist(joint_b.reshape(NPIX // 4))
    p_joint, p_img, p_mask, p_img_mask, p_mask_img = _finalize(parts_a, parts_b)
    return (p_joint.reshape(NUM_CL, NUM_BINS), p_img.reshape(NUM_BINS),
            p_mask.reshape(NUM_CL), p_img_mask.reshape(NUM_CL, NUM_BINS),
            p_mask_img.reshape(NUM_CL, NUM_BINS))

# --- scband reference (transcript-rebuilt; emitter-appended) ---
"""Pipeline reference for scband-mutual-information2-34497177321941 (READ-ONLY COPY).

The authoritative reference and input builder live on the scoring server;
editing this copy changes nothing except your own understanding.
"""

import jax, jax.numpy as jnp
import numpy as np

NUM_CLASSES = 5
NUM_BINS = 256

def normalizeRGB(img):
    # per-image min-max normalization to [0, 1]
    mn = jnp.min(img, axis=(1, 2, 3), keepdims=True)
    mx = jnp.max(img, axis=(1, 2, 3), keepdims=True)
    return (img - mn) / (mx - mn + 1e-9)

def rgb_to_grayscale(img):
    w = jnp.array([0.299, 0.587, 0.114], dtype=img.dtype)
    return jnp.sum(img * w[None, :, None, None], axis=1, keepdims=True)

def setup_inputs(seed: int = 0) -> dict:
    key = jax.random.key(seed)
    k1, k2 = jax.random.split(key)
    inp = jax.random.uniform(k1, (16, 3, 512, 512), dtype=jnp.float32)
    mask = jax.random.normal(k2, (16, 5, 512, 512), dtype=jnp.float32)
    return {"input": inp, "mask": mask}

def reference(input, mask):
    B, C, H, W = input.shape
    img = normalizeRGB(input)
    # mask logits -> hard class ids
    m = jnp.argmax(mask, axis=1)  # [B, H, W] int
    gray = rgb_to_grayscale(img)  # [B, 1, H, W] in [0, 1]
    # quantize to uint8 bins (matches (image * 255).to(torch.uint8))
    q = (gray * 255.0).astype(jnp.uint8).astype(jnp.int32)
    img_flat = q.reshape(-1)
    mask_flat = m.reshape(-1).astype(jnp.int32)
    # joint histogram: COM[i, v] = #{pixels with class i and intensity v}
    joint_idx = mask_flat * NUM_BINS + img_flat
    COM = jnp.bincount(joint_idx, length=NUM_CLASSES * NUM_BINS).reshape(NUM_CLASSES, NUM_BINS)
    # faithful to the torch code: COM[i, 0] is overwritten with the GLOBAL
    # number of zero pixels in the image (same value for every class i)
    real_zeros = img_flat.shape[0] - jnp.count_nonzero(img_flat)
    COM = COM.at[:, 0].set(real_zeros)
    # first_update branch of EMA: p_joint = COM / (H*W*B)
    p_joint = COM.astype(jnp.float32) / float(H * W * B)
    p_img = jnp.sum(p_joint, axis=0)   # [256]
    p_mask = jnp.sum(p_joint, axis=1)  # [5]
    eps = 1e-9
    p_mask_img = p_joint / (p_img[None, :] + eps)   # repeat(5, 1) broadcast
    p_img_mask = p_joint / (p_mask[:, None] + eps)  # repeat(1, 256) broadcast
    return (p_joint, p_img, p_mask, p_img_mask, p_mask_img)

if __name__ == "__main__":
    import jax
    _d = setup_inputs()
    print(jax.jit(kernel)(*tuple(_d.values())))

</pallas_src>

<mosaic_0001>
#map = affine_map<(d0, d1) -> (0)>
#map1 = affine_map<(d0, d1) -> (0, 0)>
module attributes {stable_mosaic.version = 14 : i64} {
  func.func @_sc_hist_body(%arg0: i32, %arg1: i32, %arg2: memref<1048576xi32, #tpu.memory_space<hbm>>, %arg3: memref<32x1280xi32, #tpu.memory_space<hbm>>, %arg4: memref<16384xi32, #tpu.memory_space<vmem>>, %arg5: memref<16384xi32, #tpu.memory_space<vmem>>, %arg6: memref<20480xi32, #tpu.memory_space<vmem>>, %arg7: memref<1280xi32, #tpu.memory_space<vmem>>, %arg8: memref<!tpu.dma_semaphore, #tpu.memory_space<semaphore_mem>>, %arg9: memref<!tpu.dma_semaphore, #tpu.memory_space<semaphore_mem>>) attributes {dimension_semantics = [#tpu.dimension_semantics<core_parallel>, #tpu.dimension_semantics<subcore_parallel>], iteration_bounds = array<i64: 2, 16>, scalar_prefetch = 0 : i64, scratch_operands = 6 : i64, tpu.core_type = #tpu.core_type<sc_vector_subcore>, window_params = [{transform_indices = #map}, {transform_indices = #map1}]} {
    %mul3A = arith.constant 2 : i32
    %mul3A_0 = arith.muli %arg1, %mul3A : i32
    %add3A = arith.addi %mul3A_0, %arg0 : i32
    %mul3A_1 = arith.constant 32768 : i32
    %mul3A_2 = arith.muli %add3A, %mul3A_1 : i32
    %iota3A = tpu.iota {dimensions = array<i32: 0>} : vector<16xi32>
    %mul3A_3 = arith.constant 1280 : i32
    %mul3A_4 = vector.broadcast %mul3A_3 : i32 to vector<16xi32>
    %mul3A_5 = arith.muli %iota3A, %mul3A_4 : vector<16xi32>
    %broadcast_in_dim3A = arith.constant 1 : i32
    %broadcast_in_dim3A_6 = vector.broadcast %broadcast_in_dim3A : i32 to vector<16xi32>
    %broadcast_in_dim3A_7 = arith.constant 0 : i32
    %broadcast_in_dim3A_8 = vector.broadcast %broadcast_in_dim3A_7 : i32 to vector<16xi32>
    %dma_start3A = tpu.memref_slice %arg2[%mul3A_2] : memref<1048576xi32, #tpu.memory_space<hbm>> -> memref<16384xi32, #tpu.memory_space<hbm>>
    %dma_start3A_9 = tpu.memref_slice %arg2[%mul3A_2] : memref<1048576xi32, #tpu.memory_space<hbm>> -> memref<16384xi32, #tpu.memory_space<hbm>>
    tpu.enqueue_dma source(%dma_start3A_9 : memref<16384xi32, #tpu.memory_space<hbm>>) target(%arg4 : memref<16384xi32, #tpu.memory_space<vmem>>) target_semaphore(%arg8 : memref<!tpu.dma_semaphore, #tpu.memory_space<semaphore_mem>>)
    %add3A_10 = arith.constant 16384 : i32
    %add3A_11 = arith.addi %mul3A_2, %add3A_10 : i32
    %dma_start3A_12 = tpu.memref_slice %arg2[%add3A_11] : memref<1048576xi32, #tpu.memory_space<hbm>> -> memref<16384xi32, #tpu.memory_space<hbm>>
    %dma_start3A_13 = tpu.memref_slice %arg2[%add3A_11] : memref<1048576xi32, #tpu.memory_space<hbm>> -> memref<16384xi32, #tpu.memory_space<hbm>>
    tpu.enqueue_dma source(%dma_start3A_13 : memref<16384xi32, #tpu.memory_space<hbm>>) target(%arg5 : memref<16384xi32, #tpu.memory_space<vmem>>) target_semaphore(%arg9 : memref<!tpu.dma_semaphore, #tpu.memory_space<semaphore_mem>>)
    %parallel_loop3A = arith.constant 0 : i32
    %parallel_loop3A_14 = arith.constant 1280 : i32
    %parallel_loop3A_15 = arith.constant 1 : i32
    scf.for %parallel_loop3A_28 = %parallel_loop3A to %parallel_loop3A_14 step %parallel_loop3A_15  : i32 {
      %parallel_loop3A_29 = arith.constant 16 : i32
      %parallel_loop3A_30 = arith.muli %parallel_loop3A_28, %parallel_loop3A_29 : i32
      %parallel_loop3A_31 = arith.index_cast %parallel_loop3A_30 : i32 to index
      %parallel_loop3A_32 = tpu.vector_load %arg6[%parallel_loop3A_31] {strides = array<i32>} : memref<20480xi32, #tpu.memory_space<vmem>>, vector<16xi32>,
      tpu.vector_store %arg6[%parallel_loop3A_31], %broadcast_in_dim3A_8 {strides = array<i32>} : memref<20480xi32, #tpu.memory_space<vmem>>, vector<16xi32>,
    } {sc.loop_unroll_factor = 8 : i64, sc.parallel_access}
    %dma_wait3A = tpu.memref_slice %arg2[%mul3A_2] : memref<1048576xi32, #tpu.memory_space<hbm>> -> memref<16384xi32, #tpu.memory_space<hbm>>
    %dma_wait3A_16 = tpu.memref_slice %arg2[%mul3A_2] : memref<1048576xi32, #tpu.memory_space<hbm>> -> memref<16384xi32, #tpu.memory_space<hbm>>
    tpu.wait_dma2 semaphore(%arg8 : memref<!tpu.dma_semaphore, #tpu.memory_space<semaphore_mem>>) src(%dma_wait3A_16 : memref<16384xi32, #tpu.memory_space<hbm>>) dst(%arg4 : memref<16384xi32, #tpu.memory_space<vmem>>)
    %parallel_loop3A_17 = arith.constant 0 : i32
    %parallel_loop3A_18 = arith.constant 1024 : i32
    %parallel_loop3A_19 = arith.constant 1 : i32
    scf.for %parallel_loop3A_28 = %parallel_loop3A_17 to %parallel_loop3A_18 step %parallel_loop3A_19  : i32 {
      %parallel_loop3A_29 = arith.constant 16 : i32
      %parallel_loop3A_30 = arith.muli %parallel_loop3A_28, %parallel_loop3A_29 : i32
      %parallel_loop3A_31 = arith.index_cast %parallel_loop3A_30 : i32 to index
      %parallel_loop3A_32 = tpu.vector_load %arg4[%parallel_loop3A_31] {strides = array<i32>} : memref<16384xi32, #tpu.memory_space<vmem>>, vector<16xi32>,
      %parallel_loop3A_33 = arith.constant 65535 : i32
      %parallel_loop3A_34 = vector.broadcast %parallel_loop3A_33 : i32 to vector<16xi32>
      %parallel_loop3A_35 = arith.andi %parallel_loop3A_32, %parallel_loop3A_34 : vector<16xi32>
      %parallel_loop3A_36 = arith.constant 16 : i32
      %parallel_loop3A_37 = vector.broadcast %parallel_loop3A_36 : i32 to vector<16xi32>
      %parallel_loop3A_38 = arith.shrui %parallel_loop3A_32, %parallel_loop3A_37 : vector<16xi32>
      %parallel_loop3A_39 = arith.addi %parallel_loop3A_35, %mul3A_5 : vector<16xi32>
      tpu.vector_store_idx %arg6[%parallel_loop3A_39], %broadcast_in_dim3A_6 {add = true} : memref<20480xi32, #tpu.memory_space<vmem>>[vector<16xi32>], vector<16xi32>,
      %parallel_loop3A_40 = arith.addi %parallel_loop3A_38, %mul3A_5 : vector<16xi32>
      tpu.vector_store_idx %arg6[%parallel_loop3A_40], %broadcast_in_dim3A_6 {add = true} : memref<20480xi32, #tpu.memory_space<vmem>>[vector<16xi32>], vector<16xi32>,
    } {sc.loop_unroll_factor = 8 : i64, sc.parallel_access}
    %dma_wait3A_20 = tpu.memref_slice %arg2[%add3A_11] : memref<1048576xi32, #tpu.memory_space<hbm>> -> memref<16384xi32, #tpu.memory_space<hbm>>
    %dma_wait3A_21 = tpu.memref_slice %arg2[%add3A_11] : memref<1048576xi32, #tpu.memory_space<hbm>> -> memref<16384xi32, #tpu.memory_space<hbm>>
    tpu.wait_dma2 semaphore(%arg9 : memref<!tpu.dma_semaphore, #tpu.memory_space<semaphore_mem>>) src(%dma_wait3A_21 : memref<16384xi32, #tpu.memory_space<hbm>>) dst(%arg5 : memref<16384xi32, #tpu.memory_space<vmem>>)
    %parallel_loop3A_22 = arith.constant 0 : i32
    %parallel_loop3A_23 = arith.constant 1024 : i32
    %parallel_loop3A_24 = arith.constant 1 : i32
    scf.for %parallel_loop3A_28 = %parallel_loop3A_22 to %parallel_loop3A_23 step %parallel_loop3A_24  : i32 {
      %parallel_loop3A_29 = arith.constant 16 : i32
      %parallel_loop3A_30 = arith.muli %parallel_loop3A_28, %parallel_loop3A_29 : i32
      %parallel_loop3A_31 = arith.index_cast %parallel_loop3A_30 : i32 to index
      %parallel_loop3A_32 = tpu.vector_load %arg5[%parallel_loop3A_31] {strides = array<i32>} : memref<16384xi32, #tpu.memory_space<vmem>>, vector<16xi32>,
      %parallel_loop3A_33 = arith.constant 65535 : i32
      %parallel_loop3A_34 = vector.broadcast %parallel_loop3A_33 : i32 to vector<16xi32>
      %parallel_loop3A_35 = arith.andi %parallel_loop3A_32, %parallel_loop3A_34 : vector<16xi32>
      %parallel_loop3A_36 = arith.constant 16 : i32
      %parallel_loop3A_37 = vector.broadcast %parallel_loop3A_36 : i32 to vector<16xi32>
      %parallel_loop3A_38 = arith.shrui %parallel_loop3A_32, %parallel_loop3A_37 : vector<16xi32>
      %parallel_loop3A_39 = arith.addi %parallel_loop3A_35, %mul3A_5 : vector<16xi32>
      tpu.vector_store_idx %arg6[%parallel_loop3A_39], %broadcast_in_dim3A_6 {add = true} : memref<20480xi32, #tpu.memory_space<vmem>>[vector<16xi32>], vector<16xi32>,
      %parallel_loop3A_40 = arith.addi %parallel_loop3A_38, %mul3A_5 : vector<16xi32>
      tpu.vector_store_idx %arg6[%parallel_loop3A_40], %broadcast_in_dim3A_6 {add = true} : memref<20480xi32, #tpu.memory_space<vmem>>[vector<16xi32>], vector<16xi32>,
    } {sc.loop_unroll_factor = 8 : i64, sc.parallel_access}
    %parallel_loop3A_25 = arith.constant 0 : i32
    %parallel_loop3A_26 = arith.constant 80 : i32
    %parallel_loop3A_27 = arith.constant 1 : i32
    scf.for %parallel_loop3A_28 = %parallel_loop3A_25 to %parallel_loop3A_26 step %parallel_loop3A_27  : i32 {
      %parallel_loop3A_29 = arith.constant 16 : i32
      %parallel_loop3A_30 = arith.muli %parallel_loop3A_28, %parallel_loop3A_29 : i32
      %parallel_loop3A_31 = arith.index_cast %parallel_loop3A_30 : i32 to index
      %parallel_loop3A_32 = tpu.vector_load %arg6[%parallel_loop3A_31] {strides = array<i32>} : memref<20480xi32, #tpu.memory_space<vmem>>, vector<16xi32>,
      %parallel_loop3A_33 = arith.constant 16 : i32
      %parallel_loop3A_34 = arith.muli %parallel_loop3A_28, %parallel_loop3A_33 : i32
      %parallel_loop3A_35 = arith.constant 1280 : i32
      %parallel_loop3A_36 = arith.addi %parallel_loop3A_35, %parallel_loop3A_34 : i32
      %parallel_loop3A_37 = arith.index_cast %parallel_loop3A_36 : i32 to index
      %parallel_loop3A_38 = tpu.vector_load %arg6[%parallel_loop3A_37] {strides = array<i32>} : memref<20480xi32, #tpu.memory_space<vmem>>, vector<16xi32>,
      %parallel_loop3A_39 = arith.addi %parallel_loop3A_32, %parallel_loop3A_38 : vector<16xi32>
      %parallel_loop3A_40 = arith.constant 16 : i32
      %parallel_loop3A_41 = arith.muli %parallel_loop3A_28, %parallel_loop3A_40 : i32
      %parallel_loop3A_42 = arith.constant 2560 : i32
      %parallel_loop3A_43 = arith.addi %parallel_loop3A_42, %parallel_loop3A_41 : i32
      %parallel_loop3A_44 = arith.index_cast %parallel_loop3A_43 : i32 to index
      %parallel_loop3A_45 = tpu.vector_load %arg6[%parallel_loop3A_44] {strides = array<i32>} : memref<20480xi32, #tpu.memory_space<vmem>>, vector<16xi32>,
      %parallel_loop3A_46 = arith.addi %parallel_loop3A_39, %parallel_loop3A_45 : vector<16xi32>
      %parallel_loop3A_47 = arith.constant 16 : i32
      %parallel_loop3A_48 = arith.muli %parallel_loop3A_28, %parallel_loop3A_47 : i32
      %parallel_loop3A_49 = arith.constant 3840 : i32
      %parallel_loop3A_50 = arith.addi %parallel_loop3A_49, %parallel_loop3A_48 : i32
      %parallel_loop3A_51 = arith.index_cast %parallel_loop3A_50 : i32 to index
      %parallel_loop3A_52 = tpu.vector_load %arg6[%parallel_loop3A_51] {strides = array<i32>} : memref<20480xi32, #tpu.memory_space<vmem>>, vector<16xi32>,
      %parallel_loop3A_53 = arith.addi %parallel_loop3A_46, %parallel_loop3A_52 : vector<16xi32>
      %parallel_loop3A_54 = arith.constant 16 : i32
      %parallel_loop3A_55 = arith.muli %parallel_loop3A_28, %parallel_loop3A_54 : i32
      %parallel_loop3A_56 = arith.constant 5120 : i32
      %parallel_loop3A_57 = arith.addi %parallel_loop3A_56, %parallel_loop3A_55 : i32
      %parallel_loop3A_58 = arith.index_cast %parallel_loop3A_57 : i32 to index
      %parallel_loop3A_59 = tpu.vector_load %arg6[%parallel_loop3A_58] {strides = array<i32>} : memref<20480xi32, #tpu.memory_space<vmem>>, vector<16xi32>,
      %parallel_loop3A_60 = arith.addi %parallel_loop3A_53, %parallel_loop3A_59 : vector<16xi32>
      %parallel_loop3A_61 = arith.constant 16 : i32
      %parallel_loop3A_62 = arith.muli %parallel_loop3A_28, %parallel_loop3A_61 : i32
      %parallel_loop3A_63 = arith.constant 6400 : i32
      %parallel_loop3A_64 = arith.addi %parallel_loop3A_63, %parallel_loop3A_62 : i32
      %parallel_loop3A_65 = arith.index_cast %parallel_loop3A_64 : i32 to index
      %parallel_loop3A_66 = tpu.vector_load %arg6[%parallel_loop3A_65] {strides = array<i32>} : memref<20480xi32, #tpu.memory_space<vmem>>, vector<16xi32>,
      %parallel_loop3A_67 = arith.addi %parallel_loop3A_60, %parallel_loop3A_66 : vector<16xi32>
      %parallel_loop3A_68 = arith.constant 16 : i32
      %parallel_loop3A_69 = arith.muli %parallel_loop3A_28, %parallel_loop3A_68 : i32
      %parallel_loop3A_70 = arith.constant 7680 : i32
      %parallel_loop3A_71 = arith.addi %parallel_loop3A_70, %parallel_loop3A_69 : i32
      %parallel_loop3A_72 = arith.index_cast %parallel_loop3A_71 : i32 to index
      %parallel_loop3A_73 = tpu.vector_load %arg6[%parallel_loop3A_72] {strides = array<i32>} : memref<20480xi32, #tpu.memory_space<vmem>>, vector<16xi32>,
      %parallel_loop3A_74 = arith.addi %parallel_loop3A_67, %parallel_loop3A_73 : vector<16xi32>
      %parallel_loop3A_75 = arith.constant 16 : i32
      %parallel_loop3A_76 = arith.muli %parallel_loop3A_28, %parallel_loop3A_75 : i32
      %parallel_loop3A_77 = arith.constant 8960 : i32
      %parallel_loop3A_78 = arith.addi %parallel_loop3A_77, %parallel_loop3A_76 : i32
      %parallel_loop3A_79 = arith.index_cast %parallel_loop3A_78 : i32 to index
      %parallel_loop3A_80 = tpu.vector_load %arg6[%parallel_loop3A_79] {strides = array<i32>} : memref<20480xi32, #tpu.memory_space<vmem>>, vector<16xi32>,
      %parallel_loop3A_81 = arith.addi %parallel_loop3A_74, %parallel_loop3A_80 : vector<16xi32>
      %parallel_loop3A_82 = arith.constant 16 : i32
      %parallel_loop3A_83 = arith.muli %parallel_loop3A_28, %parallel_loop3A_82 : i32
      %parallel_loop3A_84 = arith.constant 10240 : i32
      %parallel_loop3A_85 = arith.addi %parallel_loop3A_84, %parallel_loop3A_83 : i32
      %parallel_loop3A_86 = arith.index_cast %parallel_loop3A_85 : i32 to index
      %parallel_loop3A_87 = tpu.vector_load %arg6[%parallel_loop3A_86] {strides = array<i32>} : memref<20480xi32, #tpu.memory_space<vmem>>, vector<16xi32>,
      %parallel_loop3A_88 = arith.addi %parallel_loop3A_81, %parallel_loop3A_87 : vector<16xi32>
      %parallel_loop3A_89 = arith.constant 16 : i32
      %parallel_loop3A_90 = arith.muli %parallel_loop3A_28, %parallel_loop3A_89 : i32
      %parallel_loop3A_91 = arith.constant 11520 : i32
      %parallel_loop3A_92 = arith.addi %parallel_loop3A_91, %parallel_loop3A_90 : i32
      %parallel_loop3A_93 = arith.index_cast %parallel_loop3A_92 : i32 to index
      %parallel_loop3A_94 = tpu.vector_load %arg6[%parallel_loop3A_93] {strides = array<i32>} : memref<20480xi32, #tpu.memory_space<vmem>>, vector<16xi32>,
      %parallel_loop3A_95 = arith.addi %parallel_loop3A_88, %parallel_loop3A_94 : vector<16xi32>
      %parallel_loop3A_96 = arith.constant 16 : i32
      %parallel_loop3A_97 = arith.muli %parallel_loop3A_28, %parallel_loop3A_96 : i32
      %parallel_loop3A_98 = arith.constant 12800 : i32
      %parallel_loop3A_99 = arith.addi %parallel_loop3A_98, %parallel_loop3A_97 : i32
      %parallel_loop3A_100 = arith.index_cast %parallel_loop3A_99 : i32 to index
      %parallel_loop3A_101 = tpu.vector_load %arg6[%parallel_loop3A_100] {strides = array<i32>} : memref<20480xi32, #tpu.memory_space<vmem>>, vector<16xi32>,
      %parallel_loop3A_102 = arith.addi %parallel_loop3A_95, %parallel_loop3A_101 : vector<16xi32>
      %parallel_loop3A_103 = arith.constant 16 : i32
      %parallel_loop3A_104 = arith.muli %parallel_loop3A_28, %parallel_loop3A_103 : i32
      %parallel_loop3A_105 = arith.constant 14080 : i32
      %parallel_loop3A_106 = arith.addi %parallel_loop3A_105, %parallel_loop3A_104 : i32
      %parallel_loop3A_107 = arith.index_cast %parallel_loop3A_106 : i32 to index
      %parallel_loop3A_108 = tpu.vector_load %arg6[%parallel_loop3A_107] {strides = array<i32>} : memref<20480xi32, #tpu.memory_space<vmem>>, vector<16xi32>,
      %parallel_loop3A_109 = arith.addi %parallel_loop3A_102, %parallel_loop3A_108 : vector<16xi32>
      %parallel_loop3A_110 = arith.constant 16 : i32
      %parallel_loop3A_111 = arith.muli %parallel_loop3A_28, %parallel_loop3A_110 : i32
      %parallel_loop3A_112 = arith.constant 15360 : i32
      %parallel_loop3A_113 = arith.addi %parallel_loop3A_112, %parallel_loop3A_111 : i32
      %parallel_loop3A_114 = arith.index_cast %parallel_loop3A_113 : i32 to index
      %parallel_loop3A_115 = tpu.vector_load %arg6[%parallel_loop3A_114] {strides = array<i32>} : memref<20480xi32, #tpu.memory_space<vmem>>, vector<16xi32>,
      %parallel_loop3A_116 = arith.addi %parallel_loop3A_109, %parallel_loop3A_115 : vector<16xi32>
      %parallel_loop3A_117 = arith.constant 16 : i32
      %parallel_loop3A_118 = arith.muli %parallel_loop3A_28, %parallel_loop3A_117 : i32
      %parallel_loop3A_119 = arith.constant 16640 : i32
      %parallel_loop3A_120 = arith.addi %parallel_loop3A_119, %parallel_loop3A_118 : i32
      %parallel_loop3A_121 = arith.index_cast %parallel_loop3A_120 : i32 to index
      %parallel_loop3A_122 = tpu.vector_load %arg6[%parallel_loop3A_121] {strides = array<i32>} : memref<20480xi32, #tpu.memory_space<vmem>>, vector<16xi32>,
      %parallel_loop3A_123 = arith.addi %parallel_loop3A_116, %parallel_loop3A_122 : vector<16xi32>
      %parallel_loop3A_124 = arith.constant 16 : i32
      %parallel_loop3A_125 = arith.muli %parallel_loop3A_28, %parallel_loop3A_124 : i32
      %parallel_loop3A_126 = arith.constant 17920 : i32
      %parallel_loop3A_127 = arith.addi %parallel_loop3A_126, %parallel_loop3A_125 : i32
      %parallel_loop3A_128 = arith.index_cast %parallel_loop3A_127 : i32 to index
      %parallel_loop3A_129 = tpu.vector_load %arg6[%parallel_loop3A_128] {strides = array<i32>} : memref<20480xi32, #tpu.memory_space<vmem>>, vector<16xi32>,
      %parallel_loop3A_130 = arith.addi %parallel_loop3A_123, %parallel_loop3A_129 : vector<16xi32>
      %parallel_loop3A_131 = arith.constant 16 : i32
      %parallel_loop3A_132 = arith.muli %parallel_loop3A_28, %parallel_loop3A_131 : i32
      %parallel_loop3A_133 = arith.constant 19200 : i32
      %parallel_loop3A_134 = arith.addi %parallel_loop3A_133, %parallel_loop3A_132 : i32
      %parallel_loop3A_135 = arith.index_cast %parallel_loop3A_134 : i32 to index
      %parallel_loop3A_136 = tpu.vector_load %arg6[%parallel_loop3A_135] {strides = array<i32>} : memref<20480xi32, #tpu.memory_space<vmem>>, vector<16xi32>,
      %parallel_loop3A_137 = arith.addi %parallel_loop3A_130, %parallel_loop3A_136 : vector<16xi32>
      %parallel_loop3A_138 = arith.constant 16 : i32
      %parallel_loop3A_139 = arith.muli %parallel_loop3A_28, %parallel_loop3A_138 : i32
      %parallel_loop3A_140 = arith.index_cast %parallel_loop3A_139 : i32 to index
      %parallel_loop3A_141 = tpu.vector_load %arg7[%parallel_loop3A_140] {strides = array<i32>} : memref<1280xi32, #tpu.memory_space<vmem>>, vector<16xi32>,
      tpu.vector_store %arg7[%parallel_loop3A_140], %parallel_loop3A_137 {strides = array<i32>} : memref<1280xi32, #tpu.memory_space<vmem>>, vector<16xi32>,
    } {sc.loop_unroll_factor = 2 : i64, sc.parallel_access}
    "tpu.region"() ({
      %run_scoped3A = tpu.sem_alloc : memref<!tpu.dma_semaphore, #tpu.memory_space<semaphore_mem>>
      %dma_start3A_28 = arith.constant 0 : i32
      %dma_start3A_29 = tpu.memref_slice %arg3[%add3A, %dma_start3A_28] : memref<32x1280xi32, #tpu.memory_space<hbm>> -> memref<1x1280xi32, #tpu.memory_space<hbm>>
      %dma_start3A_30 = tpu.memref_squeeze %dma_start3A_29 : memref<1x1280xi32, #tpu.memory_space<hbm>> -> memref<1280xi32, #tpu.memory_space<hbm>>
      %dma_start3A_31 = arith.constant 0 : i32
      %dma_start3A_32 = tpu.memref_slice %arg3[%add3A, %dma_start3A_31] : memref<32x1280xi32, #tpu.memory_space<hbm>> -> memref<1x1280xi32, #tpu.memory_space<hbm>>
      %dma_start3A_33 = tpu.memref_squeeze %dma_start3A_32 : memref<1x1280xi32, #tpu.memory_space<hbm>> -> memref<1280xi32, #tpu.memory_space<hbm>>
      tpu.enqueue_dma source(%arg7 : memref<1280xi32, #tpu.memory_space<vmem>>) target(%dma_start3A_33 : memref<1280xi32, #tpu.memory_space<hbm>>) target_semaphore(%run_scoped3A : memref<!tpu.dma_semaphore, #tpu.memory_space<semaphore_mem>>)
      %dma_wait3A_34 = arith.constant 0 : i32
      %dma_wait3A_35 = tpu.memref_slice %arg3[%add3A, %dma_wait3A_34] : memref<32x1280xi32, #tpu.memory_space<hbm>> -> memref<1x1280xi32, #tpu.memory_space<hbm>>
      %dma_wait3A_36 = tpu.memref_squeeze %dma_wait3A_35 : memref<1x1280xi32, #tpu.memory_space<hbm>> -> memref<1280xi32, #tpu.memory_space<hbm>>
      %dma_wait3A_37 = arith.constant 0 : i32
      %dma_wait3A_38 = tpu.memref_slice %arg3[%add3A, %dma_wait3A_37] : memref<32x1280xi32, #tpu.memory_space<hbm>> -> memref<1x1280xi32, #tpu.memory_space<hbm>>
      %dma_wait3A_39 = tpu.memref_squeeze %dma_wait3A_38 : memref<1x1280xi32, #tpu.memory_space<hbm>> -> memref<1280xi32, #tpu.memory_space<hbm>>
      tpu.wait_dma2 semaphore(%run_scoped3A : memref<!tpu.dma_semaphore, #tpu.memory_space<semaphore_mem>>) src(%arg7 : memref<1280xi32, #tpu.memory_space<vmem>>) dst(%dma_wait3A_39 : memref<1280xi32, #tpu.memory_space<hbm>>)
      tpu.yield
    }) : () -> ()
    return
  }
}

#map = affine_map<(d0, d1) -> (0)>
#map1 = affine_map<(d0, d1) -> (0, 0)>
module attributes {stable_mosaic.version = 14 : i64} {
  func.func @_sc_hist_body(%arg0: i32, %arg1: i32, %arg2: memref<1048576xi32, #tpu.memory_space<hbm>>, %arg3: memref<32x1280xi32, #tpu.memory_space<hbm>>, %arg4: memref<16384xi32, #tpu.memory_space<vmem>>, %arg5: memref<16384xi32, #tpu.memory_space<vmem>>, %arg6: memref<20480xi32, #tpu.memory_space<vmem>>, %arg7: memref<1280xi32, #tpu.memory_space<vmem>>, %arg8: memref<!tpu.dma_semaphore, #tpu.memory_space<semaphore_mem>>, %arg9: memref<!tpu.dma_semaphore, #tpu.memory_space<semaphore_mem>>) attributes {dimension_semantics = [#tpu.dimension_semantics<core_parallel>, #tpu.dimension_semantics<subcore_parallel>], iteration_bounds = array<i64: 2, 16>, scalar_prefetch = 0 : i64, scratch_operands = 6 : i64, tpu.core_type = #tpu.core_type<sc_vector_subcore>, window_params = [{transform_indices = #map}, {transform_indices = #map1}]} {
    %mul3A = arith.constant 2 : i32
    %mul3A_0 = arith.muli %arg1, %mul3A : i32
    %add3A = arith.addi %mul3A_0, %arg0 : i32
    %mul3A_1 = arith.constant 32768 : i32
    %mul3A_2 = arith.muli %add3A, %mul3A_1 : i32
    %iota3A = tpu.iota {dimensions = array<i32: 0>} : vector<16xi32>
    %mul3A_3 = arith.constant 1280 : i32
    %mul3A_4 = vector.broadcast %mul3A_3 : i32 to vector<16xi32>
    %mul3A_5 = arith.muli %iota3A, %mul3A_4 : vector<16xi32>
    %broadcast_in_dim3A = arith.constant 1 : i32
    %broadcast_in_dim3A_6 = vector.broadcast %broadcast_in_dim3A : i32 to vector<16xi32>
    %broadcast_in_dim3A_7 = arith.constant 0 : i32
    %broadcast_in_dim3A_8 = vector.broadcast %broadcast_in_dim3A_7 : i32 to vector<16xi32>
    %dma_start3A = tpu.memref_slice %arg2[%mul3A_2] : memref<1048576xi32, #tpu.memory_space<hbm>> -> memref<16384xi32, #tpu.memory_space<hbm>>
    %dma_start3A_9 = tpu.memref_slice %arg2[%mul3A_2] : memref<1048576xi32, #tpu.memory_space<hbm>> -> memref<16384xi32, #tpu.memory_space<hbm>>
    tpu.enqueue_dma source(%dma_start3A_9 : memref<16384xi32, #tpu.memory_space<hbm>>) target(%arg4 : memref<16384xi32, #tpu.memory_space<vmem>>) target_semaphore(%arg8 : memref<!tpu.dma_semaphore, #tpu.memory_space<semaphore_mem>>)
    %add3A_10 = arith.constant 16384 : i32
    %add3A_11 = arith.addi %mul3A_2, %add3A_10 : i32
    %dma_start3A_12 = tpu.memref_slice %arg2[%add3A_11] : memref<1048576xi32, #tpu.memory_space<hbm>> -> memref<16384xi32, #tpu.memory_space<hbm>>
    %dma_start3A_13 = tpu.memref_slice %arg2[%add3A_11] : memref<1048576xi32, #tpu.memory_space<hbm>> -> memref<16384xi32, #tpu.memory_space<hbm>>
    tpu.enqueue_dma source(%dma_start3A_13 : memref<16384xi32, #tpu.memory_space<hbm>>) target(%arg5 : memref<16384xi32, #tpu.memory_space<vmem>>) target_semaphore(%arg9 : memref<!tpu.dma_semaphore, #tpu.memory_space<semaphore_mem>>)
    %parallel_loop3A = arith.constant 0 : i32
    %parallel_loop3A_14 = arith.constant 1280 : i32
    %parallel_loop3A_15 = arith.constant 1 : i32
    scf.for %parallel_loop3A_28 = %parallel_loop3A to %parallel_loop3A_14 step %parallel_loop3A_15  : i32 {
      %parallel_loop3A_29 = arith.constant 16 : i32
      %parallel_loop3A_30 = arith.muli %parallel_loop3A_28, %parallel_loop3A_29 : i32
      %parallel_loop3A_31 = arith.index_cast %parallel_loop3A_30 : i32 to index
      %parallel_loop3A_32 = tpu.vector_load %arg6[%parallel_loop3A_31] {strides = array<i32>} : memref<20480xi32, #tpu.memory_space<vmem>>, vector<16xi32>,
      tpu.vector_store %arg6[%parallel_loop3A_31], %broadcast_in_dim3A_8 {strides = array<i32>} : memref<20480xi32, #tpu.memory_space<vmem>>, vector<16xi32>,
    } {sc.loop_unroll_factor = 8 : i64, sc.parallel_access}
    %dma_wait3A = tpu.memref_slice %arg2[%mul3A_2] : memref<1048576xi32, #tpu.memory_space<hbm>> -> memref<16384xi32, #tpu.memory_space<hbm>>
    %dma_wait3A_16 = tpu.memref_slice %arg2[%mul3A_2] : memref<1048576xi32, #tpu.memory_space<hbm>> -> memref<16384xi32, #tpu.memory_space<hbm>>
    tpu.wait_dma2 semaphore(%arg8 : memref<!tpu.dma_semaphore, #tpu.memory_space<semaphore_mem>>) src(%dma_wait3A_16 : memref<16384xi32, #tpu.memory_space<hbm>>) dst(%arg4 : memref<16384xi32, #tpu.memory_space<vmem>>)
    %parallel_loop3A_17 = arith.constant 0 : i32
    %parallel_loop3A_18 = arith.constant 1024 : i32
    %parallel_loop3A_19 = arith.constant 1 : i32
    scf.for %parallel_loop3A_28 = %parallel_loop3A_17 to %parallel_loop3A_18 step %parallel_loop3A_19  : i32 {
      %parallel_loop3A_29 = arith.constant 16 : i32
      %parallel_loop3A_30 = arith.muli %parallel_loop3A_28, %parallel_loop3A_29 : i32
      %parallel_loop3A_31 = arith.index_cast %parallel_loop3A_30 : i32 to index
      %parallel_loop3A_32 = tpu.vector_load %arg4[%parallel_loop3A_31] {strides = array<i32>} : memref<16384xi32, #tpu.memory_space<vmem>>, vector<16xi32>,
      %parallel_loop3A_33 = arith.constant 65535 : i32
      %parallel_loop3A_34 = vector.broadcast %parallel_loop3A_33 : i32 to vector<16xi32>
      %parallel_loop3A_35 = arith.andi %parallel_loop3A_32, %parallel_loop3A_34 : vector<16xi32>
      %parallel_loop3A_36 = arith.constant 16 : i32
      %parallel_loop3A_37 = vector.broadcast %parallel_loop3A_36 : i32 to vector<16xi32>
      %parallel_loop3A_38 = arith.shrui %parallel_loop3A_32, %parallel_loop3A_37 : vector<16xi32>
      %parallel_loop3A_39 = arith.addi %parallel_loop3A_35, %mul3A_5 : vector<16xi32>
      tpu.vector_store_idx %arg6[%parallel_loop3A_39], %broadcast_in_dim3A_6 {add = true} : memref<20480xi32, #tpu.memory_space<vmem>>[vector<16xi32>], vector<16xi32>,
      %parallel_loop3A_40 = arith.addi %parallel_loop3A_38, %mul3A_5 : vector<16xi32>
      tpu.vector_store_idx %arg6[%parallel_loop3A_40], %broadcast_in_dim3A_6 {add = true} : memref<20480xi32, #tpu.memory_space<vmem>>[vector<16xi32>], vector<16xi32>,
    } {sc.loop_unroll_factor = 8 : i64, sc.parallel_access}
    %dma_wait3A_20 = tpu.memref_slice %arg2[%add3A_11] : memref<1048576xi32, #tpu.memory_space<hbm>> -> memref<16384xi32, #tpu.memory_space<hbm>>
    %dma_wait3A_21 = tpu.memref_slice %arg2[%add3A_11] : memref<1048576xi32, #tpu.memory_space<hbm>> -> memref<16384xi32, #tpu.memory_space<hbm>>
    tpu.wait_dma2 semaphore(%arg9 : memref<!tpu.dma_semaphore, #tpu.memory_space<semaphore_mem>>) src(%dma_wait3A_21 : memref<16384xi32, #tpu.memory_space<hbm>>) dst(%arg5 : memref<16384xi32, #tpu.memory_space<vmem>>)
    %parallel_loop3A_22 = arith.constant 0 : i32
    %parallel_loop3A_23 = arith.constant 1024 : i32
    %parallel_loop3A_24 = arith.constant 1 : i32
    scf.for %parallel_loop3A_28 = %parallel_loop3A_22 to %parallel_loop3A_23 step %parallel_loop3A_24  : i32 {
      %parallel_loop3A_29 = arith.constant 16 : i32
      %parallel_loop3A_30 = arith.muli %parallel_loop3A_28, %parallel_loop3A_29 : i32
      %parallel_loop3A_31 = arith.index_cast %parallel_loop3A_30 : i32 to index
      %parallel_loop3A_32 = tpu.vector_load %arg5[%parallel_loop3A_31] {strides = array<i32>} : memref<16384xi32, #tpu.memory_space<vmem>>, vector<16xi32>,
      %parallel_loop3A_33 = arith.constant 65535 : i32
      %parallel_loop3A_34 = vector.broadcast %parallel_loop3A_33 : i32 to vector<16xi32>
      %parallel_loop3A_35 = arith.andi %parallel_loop3A_32, %parallel_loop3A_34 : vector<16xi32>
      %parallel_loop3A_36 = arith.constant 16 : i32
      %parallel_loop3A_37 = vector.broadcast %parallel_loop3A_36 : i32 to vector<16xi32>
      %parallel_loop3A_38 = arith.shrui %parallel_loop3A_32, %parallel_loop3A_37 : vector<16xi32>
      %parallel_loop3A_39 = arith.addi %parallel_loop3A_35, %mul3A_5 : vector<16xi32>
      tpu.vector_store_idx %arg6[%parallel_loop3A_39], %broadcast_in_dim3A_6 {add = true} : memref<20480xi32, #tpu.memory_space<vmem>>[vector<16xi32>], vector<16xi32>,
      %parallel_loop3A_40 = arith.addi %parallel_loop3A_38, %mul3A_5 : vector<16xi32>
      tpu.vector_store_idx %arg6[%parallel_loop3A_40], %broadcast_in_dim3A_6 {add = true} : memref<20480xi32, #tpu.memory_space<vmem>>[vector<16xi32>], vector<16xi32>,
    } {sc.loop_unroll_factor = 8 : i64, sc.parallel_access}
    %parallel_loop3A_25 = arith.constant 0 : i32
    %parallel_loop3A_26 = arith.constant 80 : i32
    %parallel_loop3A_27 = arith.constant 1 : i32
    scf.for %parallel_loop3A_28 = %parallel_loop3A_25 to %parallel_loop3A_26 step %parallel_loop3A_27  : i32 {
      %parallel_loop3A_29 = arith.constant 16 : i32
      %parallel_loop3A_30 = arith.muli %parallel_loop3A_28, %parallel_loop3A_29 : i32
      %parallel_loop3A_31 = arith.index_cast %parallel_loop3A_30 : i32 to index
      %parallel_loop3A_32 = tpu.vector_load %arg6[%parallel_loop3A_31] {strides = array<i32>} : memref<20480xi32, #tpu.memory_space<vmem>>, vector<16xi32>,
      %parallel_loop3A_33 = arith.constant 16 : i32
      %parallel_loop3A_34 = arith.muli %parallel_loop3A_28, %parallel_loop3A_33 : i32
      %parallel_loop3A_35 = arith.constant 1280 : i32
      %parallel_loop3A_36 = arith.addi %parallel_loop3A_35, %parallel_loop3A_34 : i32
      %parallel_loop3A_37 = arith.index_cast %parallel_loop3A_36 : i32 to index
      %parallel_loop3A_38 = tpu.vector_load %arg6[%parallel_loop3A_37] {strides = array<i32>} : memref<20480xi32, #tpu.memory_space<vmem>>, vector<16xi32>,
      %parallel_loop3A_39 = arith.addi %parallel_loop3A_32, %parallel_loop3A_38 : vector<16xi32>
      %parallel_loop3A_40 = arith.constant 16 : i32
      %parallel_loop3A_41 = arith.muli %parallel_loop3A_28, %parallel_loop3A_40 : i32
      %parallel_loop3A_42 = arith.constant 2560 : i32
      %parallel_loop3A_43 = arith.addi %parallel_loop3A_42, %parallel_loop3A_41 : i32
      %parallel_loop3A_44 = arith.index_cast %parallel_loop3A_43 : i32 to index
      %parallel_loop3A_45 = tpu.vector_load %arg6[%parallel_loop3A_44] {strides = array<i32>} : memref<20480xi32, #tpu.memory_space<vmem>>, vector<16xi32>,
      %parallel_loop3A_46 = arith.addi %parallel_loop3A_39, %parallel_loop3A_45 : vector<16xi32>
      %parallel_loop3A_47 = arith.constant 16 : i32
      %parallel_loop3A_48 = arith.muli %parallel_loop3A_28, %parallel_loop3A_47 : i32
      %parallel_loop3A_49 = arith.constant 3840 : i32
      %parallel_loop3A_50 = arith.addi %parallel_loop3A_49, %parallel_loop3A_48 : i32
      %parallel_loop3A_51 = arith.index_cast %parallel_loop3A_50 : i32 to index
      %parallel_loop3A_52 = tpu.vector_load %arg6[%parallel_loop3A_51] {strides = array<i32>} : memref<20480xi32, #tpu.memory_space<vmem>>, vector<16xi32>,
      %parallel_loop3A_53 = arith.addi %parallel_loop3A_46, %parallel_loop3A_52 : vector<16xi32>
      %parallel_loop3A_54 = arith.constant 16 : i32
      %parallel_loop3A_55 = arith.muli %parallel_loop3A_28, %parallel_loop3A_54 : i32
      %parallel_loop3A_56 = arith.constant 5120 : i32
      %parallel_loop3A_57 = arith.addi %parallel_loop3A_56, %parallel_loop3A_55 : i32
      %parallel_loop3A_58 = arith.index_cast %parallel_loop3A_57 : i32 to index
      %parallel_loop3A_59 = tpu.vector_load %arg6[%parallel_loop3A_58] {strides = array<i32>} : memref<20480xi32, #tpu.memory_space<vmem>>, vector<16xi32>,
      %parallel_loop3A_60 = arith.addi %parallel_loop3A_53, %parallel_loop3A_59 : vector<16xi32>
      %parallel_loop3A_61 = arith.constant 16 : i32
      %parallel_loop3A_62 = arith.muli %parallel_loop3A_28, %parallel_loop3A_61 : i32
      %parallel_loop3A_63 = arith.constant 6400 : i32
      %parallel_loop3A_64 = arith.addi %parallel_loop3A_63, %parallel_loop3A_62 : i32
      %parallel_loop3A_65 = arith.index_cast %parallel_loop3A_64 : i32 to index
      %parallel_loop3A_66 = tpu.vector_load %arg6[%parallel_loop3A_65] {strides = array<i32>} : memref<20480xi32, #tpu.memory_space<vmem>>, vector<16xi32>,
      %parallel_loop3A_67 = arith.addi %parallel_loop3A_60, %parallel_loop3A_66 : vector<16xi32>
      %parallel_loop3A_68 = arith.constant 16 : i32
      %parallel_loop3A_69 = arith.muli %parallel_loop3A_28, %parallel_loop3A_68 : i32
      %parallel_loop3A_70 = arith.constant 7680 : i32
      %parallel_loop3A_71 = arith.addi %parallel_loop3A_70, %parallel_loop3A_69 : i32
      %parallel_loop3A_72 = arith.index_cast %parallel_loop3A_71 : i32 to index
      %parallel_loop3A_73 = tpu.vector_load %arg6[%parallel_loop3A_72] {strides = array<i32>} : memref<20480xi32, #tpu.memory_space<vmem>>, vector<16xi32>,
      %parallel_loop3A_74 = arith.addi %parallel_loop3A_67, %parallel_loop3A_73 : vector<16xi32>
      %parallel_loop3A_75 = arith.constant 16 : i32
      %parallel_loop3A_76 = arith.muli %parallel_loop3A_28, %parallel_loop3A_75 : i32
      %parallel_loop3A_77 = arith.constant 8960 : i32
      %parallel_loop3A_78 = arith.addi %parallel_loop3A_77, %parallel_loop3A_76 : i32
      %parallel_loop3A_79 = arith.index_cast %parallel_loop3A_78 : i32 to index
      %parallel_loop3A_80 = tpu.vector_load %arg6[%parallel_loop3A_79] {strides = array<i32>} : memref<20480xi32, #tpu.memory_space<vmem>>, vector<16xi32>,
      %parallel_loop3A_81 = arith.addi %parallel_loop3A_74, %parallel_loop3A_80 : vector<16xi32>
      %parallel_loop3A_82 = arith.constant 16 : i32
      %parallel_loop3A_83 = arith.muli %parallel_loop3A_28, %parallel_loop3A_82 : i32
      %parallel_loop3A_84 = arith.constant 10240 : i32
      %parallel_loop3A_85 = arith.addi %parallel_loop3A_84, %parallel_loop3A_83 : i32
      %parallel_loop3A_86 = arith.index_cast %parallel_loop3A_85 : i32 to index
      %parallel_loop3A_87 = tpu.vector_load %arg6[%parallel_loop3A_86] {strides = array<i32>} : memref<20480xi32, #tpu.memory_space<vmem>>, vector<16xi32>,
      %parallel_loop3A_88 = arith.addi %parallel_loop3A_81, %parallel_loop3A_87 : vector<16xi32>
      %parallel_loop3A_89 = arith.constant 16 : i32
      %parallel_loop3A_90 = arith.muli %parallel_loop3A_28, %parallel_loop3A_89 : i32
      %parallel_loop3A_91 = arith.constant 11520 : i32
      %parallel_loop3A_92 = arith.addi %parallel_loop3A_91, %parallel_loop3A_90 : i32
      %parallel_loop3A_93 = arith.index_cast %parallel_loop3A_92 : i32 to index
      %parallel_loop3A_94 = tpu.vector_load %arg6[%parallel_loop3A_93] {strides = array<i32>} : memref<20480xi32, #tpu.memory_space<vmem>>, vector<16xi32>,
      %parallel_loop3A_95 = arith.addi %parallel_loop3A_88, %parallel_loop3A_94 : vector<16xi32>
      %parallel_loop3A_96 = arith.constant 16 : i32
      %parallel_loop3A_97 = arith.muli %parallel_loop3A_28, %parallel_loop3A_96 : i32
      %parallel_loop3A_98 = arith.constant 12800 : i32
      %parallel_loop3A_99 = arith.addi %parallel_loop3A_98, %parallel_loop3A_97 : i32
      %parallel_loop3A_100 = arith.index_cast %parallel_loop3A_99 : i32 to index
      %parallel_loop3A_101 = tpu.vector_load %arg6[%parallel_loop3A_100] {strides = array<i32>} : memref<20480xi32, #tpu.memory_space<vmem>>, vector<16xi32>,
      %parallel_loop3A_102 = arith.addi %parallel_loop3A_95, %parallel_loop3A_101 : vector<16xi32>
      %parallel_loop3A_103 = arith.constant 16 : i32
      %parallel_loop3A_104 = arith.muli %parallel_loop3A_28, %parallel_loop3A_103 : i32
      %parallel_loop3A_105 = arith.constant 14080 : i32
      %parallel_loop3A_106 = arith.addi %parallel_loop3A_105, %parallel_loop3A_104 : i32
      %parallel_loop3A_107 = arith.index_cast %parallel_loop3A_106 : i32 to index
      %parallel_loop3A_108 = tpu.vector_load %arg6[%parallel_loop3A_107] {strides = array<i32>} : memref<20480xi32, #tpu.memory_space<vmem>>, vector<16xi32>,
      %parallel_loop3A_109 = arith.addi %parallel_loop3A_102, %parallel_loop3A_108 : vector<16xi32>
      %parallel_loop3A_110 = arith.constant 16 : i32
      %parallel_loop3A_111 = arith.muli %parallel_loop3A_28, %parallel_loop3A_110 : i32
      %parallel_loop3A_112 = arith.constant 15360 : i32
      %parallel_loop3A_113 = arith.addi %parallel_loop3A_112, %parallel_loop3A_111 : i32
      %parallel_loop3A_114 = arith.index_cast %parallel_loop3A_113 : i32 to index
      %parallel_loop3A_115 = tpu.vector_load %arg6[%parallel_loop3A_114] {strides = array<i32>} : memref<20480xi32, #tpu.memory_space<vmem>>, vector<16xi32>,
      %parallel_loop3A_116 = arith.addi %parallel_loop3A_109, %parallel_loop3A_115 : vector<16xi32>
      %parallel_loop3A_117 = arith.constant 16 : i32
      %parallel_loop3A_118 = arith.muli %parallel_loop3A_28, %parallel_loop3A_117 : i32
      %parallel_loop3A_119 = arith.constant 16640 : i32
      %parallel_loop3A_120 = arith.addi %parallel_loop3A_119, %parallel_loop3A_118 : i32
      %parallel_loop3A_121 = arith.index_cast %parallel_loop3A_120 : i32 to index
      %parallel_loop3A_122 = tpu.vector_load %arg6[%parallel_loop3A_121] {strides = array<i32>} : memref<20480xi32, #tpu.memory_space<vmem>>, vector<16xi32>,
      %parallel_loop3A_123 = arith.addi %parallel_loop3A_116, %parallel_loop3A_122 : vector<16xi32>
      %parallel_loop3A_124 = arith.constant 16 : i32
      %parallel_loop3A_125 = arith.muli %parallel_loop3A_28, %parallel_loop3A_124 : i32
      %parallel_loop3A_126 = arith.constant 17920 : i32
      %parallel_loop3A_127 = arith.addi %parallel_loop3A_126, %parallel_loop3A_125 : i32
      %parallel_loop3A_128 = arith.index_cast %parallel_loop3A_127 : i32 to index
      %parallel_loop3A_129 = tpu.vector_load %arg6[%parallel_loop3A_128] {strides = array<i32>} : memref<20480xi32, #tpu.memory_space<vmem>>, vector<16xi32>,
      %parallel_loop3A_130 = arith.addi %parallel_loop3A_123, %parallel_loop3A_129 : vector<16xi32>
      %parallel_loop3A_131 = arith.constant 16 : i32
      %parallel_loop3A_132 = arith.muli %parallel_loop3A_28, %parallel_loop3A_131 : i32
      %parallel_loop3A_133 = arith.constant 19200 : i32
      %parallel_loop3A_134 = arith.addi %parallel_loop3A_133, %parallel_loop3A_132 : i32
      %parallel_loop3A_135 = arith.index_cast %parallel_loop3A_134 : i32 to index
      %parallel_loop3A_136 = tpu.vector_load %arg6[%parallel_loop3A_135] {strides = array<i32>} : memref<20480xi32, #tpu.memory_space<vmem>>, vector<16xi32>,
      %parallel_loop3A_137 = arith.addi %parallel_loop3A_130, %parallel_loop3A_136 : vector<16xi32>
      %parallel_loop3A_138 = arith.constant 16 : i32
      %parallel_loop3A_139 = arith.muli %parallel_loop3A_28, %parallel_loop3A_138 : i32
      %parallel_loop3A_140 = arith.index_cast %parallel_loop3A_139 : i32 to index
      %parallel_loop3A_141 = tpu.vector_load %arg7[%parallel_loop3A_140] {strides = array<i32>} : memref<1280xi32, #tpu.memory_space<vmem>>, vector<16xi32>,
      tpu.vector_store %arg7[%parallel_loop3A_140], %parallel_loop3A_137 {strides = array<i32>} : memref<1280xi32, #tpu.memory_space<vmem>>, vector<16xi32>,
    } {sc.loop_unroll_factor = 2 : i64, sc.parallel_access}
    "tpu.region"() ({
      %run_scoped3A = tpu.sem_alloc : memref<!tpu.dma_semaphore, #tpu.memory_space<semaphore_mem>>
      %dma_start3A_28 = arith.constant 0 : i32
      %dma_start3A_29 = tpu.memref_slice %arg3[%add3A, %dma_start3A_28] : memref<32x1280xi32, #tpu.memory_space<hbm>> -> memref<1x1280xi32, #tpu.memory_space<hbm>>
      %dma_start3A_30 = tpu.memref_squeeze %dma_start3A_29 : memref<1x1280xi32, #tpu.memory_space<hbm>> -> memref<1280xi32, #tpu.memory_space<hbm>>
      %dma_start3A_31 = arith.constant 0 : i32
      %dma_start3A_32 = tpu.memref_slice %arg3[%add3A, %dma_start3A_31] : memref<32x1280xi32, #tpu.memory_space<hbm>> -> memref<1x1280xi32, #tpu.memory_space<hbm>>
      %dma_start3A_33 = tpu.memref_squeeze %dma_start3A_32 : memref<1x1280xi32, #tpu.memory_space<hbm>> -> memref<1280xi32, #tpu.memory_space<hbm>>
      tpu.enqueue_dma source(%arg7 : memref<1280xi32, #tpu.memory_space<vmem>>) target(%dma_start3A_33 : memref<1280xi32, #tpu.memory_space<hbm>>) target_semaphore(%run_scoped3A : memref<!tpu.dma_semaphore, #tpu.memory_space<semaphore_mem>>)
      %dma_wait3A_34 = arith.constant 0 : i32
      %dma_wait3A_35 = tpu.memref_slice %arg3[%add3A, %dma_wait3A_34] : memref<32x1280xi32, #tpu.memory_space<hbm>> -> memref<1x1280xi32, #tpu.memory_space<hbm>>
      %dma_wait3A_36 = tpu.memref_squeeze %dma_wait3A_35 : memref<1x1280xi32, #tpu.memory_space<hbm>> -> memref<1280xi32, #tpu.memory_space<hbm>>
      %dma_wait3A_37 = arith.constant 0 : i32
      %dma_wait3A_38 = tpu.memref_slice %arg3[%add3A, %dma_wait3A_37] : memref<32x1280xi32, #tpu.memory_space<hbm>> -> memref<1x1280xi32, #tpu.memory_space<hbm>>
      %dma_wait3A_39 = tpu.memref_squeeze %dma_wait3A_38 : memref<1x1280xi32, #tpu.memory_space<hbm>> -> memref<1280xi32, #tpu.memory_space<hbm>>
      tpu.wait_dma2 semaphore(%run_scoped3A : memref<!tpu.dma_semaphore, #tpu.memory_space<semaphore_mem>>) src(%arg7 : memref<1280xi32, #tpu.memory_space<vmem>>) dst(%dma_wait3A_39 : memref<1280xi32, #tpu.memory_space<hbm>>)
      tpu.yield
    }) : () -> ()
    return
  }
}

module attributes {stable_mosaic.version = 14 : i64} {
  func.func @_minmax_body(%arg0: i32, %arg1: memref<1x3x512x512xf32, #tpu.memory_space<vmem>>, %arg2: memref<1x1x128xf32, #tpu.memory_space<vmem>>, %arg3: memref<1x1x128xf32, #tpu.memory_space<vmem>>) attributes {dimension_semantics = [#tpu.dimension_semantics<arbitrary>], iteration_bounds = array<i64: 16>, scalar_prefetch = 0 : i64, scratch_operands = 0 : i64, tpu.core_type = #tpu.core_type<tc>, window_params = [{transform_indices = @transform_0, window_bounds = array<i64: 1, 3, 512, 512>}, {transform_indices = @transform_1, window_bounds = array<i64: 1, 1, 128>}, {transform_indices = @transform_2, window_bounds = array<i64: 1, 1, 128>}]} {
    %get3A = arith.constant 0 : index
    %get3A_0 = arith.constant 0 : index
    %get3A_1 = arith.constant 0 : index
    %get3A_2 = arith.constant 0 : index
    %get3A_3 = vector.load %arg1[%get3A, %get3A_0, %get3A_1, %get3A_2] : memref<1x3x512x512xf32, #tpu.memory_space<vmem>>, vector<1x3x512x512xf32>
    %reduce_min3A = vector.shape_cast %get3A_3 : vector<1x3x512x512xf32> to vector<1x1x3x512x512xf32>
    %reduce_min3A_4 = arith.constant dense<0x7F800000> : vector<1xf32>
    %reduce_min3A_5 = vector.multi_reduction <minimumf>, %reduce_min3A, %reduce_min3A_4 [1, 2, 3, 4] : vector<1x1x3x512x512xf32> to vector<1xf32>
    %reduce_min3A_6 = vector.shape_cast %reduce_min3A_5 : vector<1xf32> to vector<1x1x1x1x1xf32>
    %reduce_min3A_7 = vector.extract %reduce_min3A_6[0, 0, 0, 0, 0] : f32 from vector<1x1x1x1x1xf32>
    %broadcast_in_dim3A = vector.broadcast %reduce_min3A_7 : f32 to vector<1x1x128xf32>
    %swap3A = arith.constant 0 : index
    %swap3A_8 = arith.constant 0 : index
    %swap3A_9 = arith.constant 0 : index
    %swap3A_10 = vector.load %arg2[%swap3A, %swap3A_8, %swap3A_9] : memref<1x1x128xf32, #tpu.memory_space<vmem>>, vector<1x1x128xf32>
    tpu.vector_store %arg2[%swap3A, %swap3A_8, %swap3A_9], %broadcast_in_dim3A {strides = array<i32>} : memref<1x1x128xf32, #tpu.memory_space<vmem>>, vector<1x1x128xf32>,
    %reduce_max3A = vector.shape_cast %get3A_3 : vector<1x3x512x512xf32> to vector<1x1x3x512x512xf32>
    %reduce_max3A_11 = arith.constant dense<0xFF800000> : vector<1xf32>
    %reduce_max3A_12 = vector.multi_reduction <maximumf>, %reduce_max3A, %reduce_max3A_11 [1, 2, 3, 4] : vector<1x1x3x512x512xf32> to vector<1xf32>
    %reduce_max3A_13 = vector.shape_cast %reduce_max3A_12 : vector<1xf32> to vector<1x1x1x1x1xf32>
    %reduce_max3A_14 = vector.extract %reduce_max3A_13[0, 0, 0, 0, 0] : f32 from vector<1x1x1x1x1xf32>
    %broadcast_in_dim3A_15 = vector.broadcast %reduce_max3A_14 : f32 to vector<1x1x128xf32>
    %swap3A_16 = arith.constant 0 : index
    %swap3A_17 = arith.constant 0 : index
    %swap3A_18 = arith.constant 0 : index
    %swap3A_19 = vector.load %arg3[%swap3A_16, %swap3A_17, %swap3A_18] : memref<1x1x128xf32, #tpu.memory_space<vmem>>, vector<1x1x128xf32>
    tpu.vector_store %arg3[%swap3A_16, %swap3A_17, %swap3A_18], %broadcast_in_dim3A_15 {strides = array<i32>} : memref<1x1x128xf32, #tpu.memory_space<vmem>>, vector<1x1x128xf32>,
    return
  }
  func.func @transform_0(%arg0: i32) -> (i32, i32, i32, i32) {
    %c0_i32 = arith.constant 0 : i32
    %c0_i32_0 = arith.constant 0 : i32
    %c0_i32_1 = arith.constant 0 : i32
    %c0_i32_2 = arith.constant 0 : i32
    return %arg0, %c0_i32, %c0_i32_0, %c0_i32_1 : i32, i32, i32, i32
  }
  func.func @transform_1(%arg0: i32) -> (i32, i32, i32) {
    %c0_i32 = arith.constant 0 : i32
    %c0_i32_0 = arith.constant 0 : i32
    %c0_i32_1 = arith.constant 0 : i32
    return %arg0, %c0_i32, %c0_i32_0 : i32, i32, i32
  }
  func.func @transform_2(%arg0: i32) -> (i32, i32, i32) {
    %c0_i32 = arith.constant 0 : i32
    %c0_i32_0 = arith.constant 0 : i32
    %c0_i32_1 = arith.constant 0 : i32
    return %arg0, %c0_i32, %c0_i32_0 : i32, i32, i32
  }
}

module attributes {stable_mosaic.version = 14 : i64} {
  func.func @_final_body(%arg0: memref<32x1280xi32, #tpu.memory_space<vmem>>, %arg1: memref<32x1280xi32, #tpu.memory_space<vmem>>, %arg2: memref<1x1280xf32, #tpu.memory_space<vmem>>, %arg3: memref<1x256xf32, #tpu.memory_space<vmem>>, %arg4: memref<5x1xf32, #tpu.memory_space<vmem>>, %arg5: memref<1x1280xf32, #tpu.memory_space<vmem>>, %arg6: memref<1x1280xf32, #tpu.memory_space<vmem>>) attributes {dimension_semantics = [], scalar_prefetch = 0 : i64, scratch_operands = 0 : i64, tpu.core_type = #tpu.core_type<tc>} {
    %get3A = arith.constant 0 : index
    %get3A_0 = arith.constant 0 : index
    %get3A_1 = vector.load %arg0[%get3A, %get3A_0] : memref<32x1280xi32, #tpu.memory_space<vmem>>, vector<32x1280xi32>
    %get3A_2 = arith.constant 0 : index
    %get3A_3 = arith.constant 0 : index
    %get3A_4 = vector.load %arg1[%get3A_2, %get3A_3] : memref<32x1280xi32, #tpu.memory_space<vmem>>, vector<32x1280xi32>
    %add3A = arith.addi %get3A_1, %get3A_4 : vector<32x1280xi32>
    %reduce_sum3A = arith.constant dense<0> : vector<1280xi32>
    %reduce_sum3A_5 = vector.multi_reduction <add>, %add3A, %reduce_sum3A [0] : vector<32x1280xi32> to vector<1280xi32>
    %broadcast_in_dim3A = vector.shape_cast %reduce_sum3A_5 : vector<1280xi32> to vector<1x1280xi32>
    %slice3A = vector.extract_strided_slice %broadcast_in_dim3A {offsets = [0, 0], sizes = [1, 1], strides = [1, 1]} : vector<1x1280xi32> to vector<1x1xi32>
    %slice3A_6 = vector.extract_strided_slice %broadcast_in_dim3A {offsets = [0, 256], sizes = [1, 1], strides = [1, 1]} : vector<1x1280xi32> to vector<1x1xi32>
    %add3A_7 = arith.addi %slice3A, %slice3A_6 : vector<1x1xi32>
    %slice3A_8 = vector.extract_strided_slice %broadcast_in_dim3A {offsets = [0, 512], sizes = [1, 1], strides = [1, 1]} : vector<1x1280xi32> to vector<1x1xi32>
    %add3A_9 = arith.addi %add3A_7, %slice3A_8 : vector<1x1xi32>
    %slice3A_10 = vector.extract_strided_slice %broadcast_in_dim3A {offsets = [0, 768], sizes = [1, 1], strides = [1, 1]} : vector<1x1280xi32> to vector<1x1xi32>
    %add3A_11 = arith.addi %add3A_9, %slice3A_10 : vector<1x1xi32>
    %slice3A_12 = vector.extract_strided_slice %broadcast_in_dim3A {offsets = [0, 1024], sizes = [1, 1], strides = [1, 1]} : vector<1x1280xi32> to vector<1x1xi32>
    %add3A_13 = arith.addi %add3A_11, %slice3A_12 : vector<1x1xi32>
    %iota3A = tpu.iota {dimensions = array<i32: 1>} : vector<1x1280xi32>
    %jit3A = arith.constant 256 : i32
    %eq3A = arith.constant 0 : i32
    %eq3A_14 = arith.cmpi eq, %jit3A, %eq3A : i32
    %jit3A_15 = arith.constant 1 : i32
    %select_n3A = arith.select %eq3A_14, %jit3A_15, %jit3A : i32
    %rem3A = vector.broadcast %select_n3A : i32 to vector<1x1280xi32>
    %rem3A_16 = arith.remsi %iota3A, %rem3A : vector<1x1280xi32>
    %ne3A = arith.constant 0 : i32
    %ne3A_17 = vector.broadcast %ne3A : i32 to vector<1x1280xi32>
    %ne3A_18 = arith.cmpi ne, %rem3A_16, %ne3A_17 : vector<1x1280xi32>
    %lt3A = arith.constant 0 : i32
    %lt3A_19 = vector.broadcast %lt3A : i32 to vector<1x1280xi32>
    %lt3A_20 = arith.cmpi slt, %rem3A_16, %lt3A_19 : vector<1x1280xi32>
    %lt3A_21 = arith.constant 0 : i32
    %lt3A_22 = arith.cmpi slt, %select_n3A, %lt3A_21 : i32
    %ne3A_23 = vector.broadcast %lt3A_22 : i1 to vector<1x1280xi1>
    %ne3A_24 = vector.broadcast %ne3A_23 : vector<1x1280xi1> to vector<1x1280xi1>
    %ne3A_25 = arith.xori %lt3A_20, %ne3A_24 : vector<1x1280xi1>
    %and3A = arith.andi %ne3A_25, %ne3A_18 : vector<1x1280xi1>
    %add3A_26 = vector.broadcast %select_n3A : i32 to vector<1x1280xi32>
    %add3A_27 = arith.addi %rem3A_16, %add3A_26 : vector<1x1280xi32>
    %select_n3A_28 = arith.select %and3A, %add3A_27, %rem3A_16 : vector<1x1280xi1>, vector<1x1280xi32>
    %eq3A_29 = arith.constant 0 : i32
    %eq3A_30 = vector.broadcast %eq3A_29 : i32 to vector<1x1280xi32>
    %eq3A_31 = arith.cmpi eq, %select_n3A_28, %eq3A_30 : vector<1x1280xi32>
    %broadcast_in_dim3A_32 = vector.shape_cast %add3A_13 : vector<1x1xi32> to vector<1x1xi32>
    %broadcast_in_dim3A_33 = vector.broadcast %broadcast_in_dim3A_32 : vector<1x1xi32> to vector<1x1280xi32>
    %select_n3A_34 = arith.select %eq3A_31, %broadcast_in_dim3A_33, %broadcast_in_dim3A : vector<1x1280xi1>, vector<1x1280xi32>
    %convert_element_type3A = arith.sitofp %select_n3A_34 : vector<1x1280xi32> to vector<1x1280xf32>
    %div3A = arith.constant 0x4A800000 : f32
    %div3A_35 = vector.broadcast %div3A : f32 to vector<1x1280xf32>
    %div3A_36 = arith.divf %convert_element_type3A, %div3A_35 : vector<1x1280xf32>
    %slice3A_37 = vector.extract_strided_slice %div3A_36 {offsets = [0, 0], sizes = [1, 256], strides = [1, 1]} : vector<1x1280xf32> to vector<1x256xf32>
    %slice3A_38 = vector.extract_strided_slice %div3A_36 {offsets = [0, 256], sizes = [1, 256], strides = [1, 1]} : vector<1x1280xf32> to vector<1x256xf32>
    %slice3A_39 = vector.extract_strided_slice %div3A_36 {offsets = [0, 512], sizes = [1, 256], strides = [1, 1]} : vector<1x1280xf32> to vector<1x256xf32>
    %slice3A_40 = vector.extract_strided_slice %div3A_36 {offsets = [0, 768], sizes = [1, 256], strides = [1, 1]} : vector<1x1280xf32> to vector<1x256xf32>
    %slice3A_41 = vector.extract_strided_slice %div3A_36 {offsets = [0, 1024], sizes = [1, 256], strides = [1, 1]} : vector<1x1280xf32> to vector<1x256xf32>
    %add3A_42 = arith.addf %slice3A_37, %slice3A_38 : vector<1x256xf32>
    %add3A_43 = arith.addf %add3A_42, %slice3A_39 : vector<1x256xf32>
    %add3A_44 = arith.addf %add3A_43, %slice3A_40 : vector<1x256xf32>
    %add3A_45 = arith.addf %add3A_44, %slice3A_41 : vector<1x256xf32>
    %reduce_sum3A_46 = vector.shape_cast %slice3A_37 : vector<1x256xf32> to vector<1x1x256xf32>
    %reduce_sum3A_47 = arith.constant dense<0.000000e+00> : vector<1xf32>
    %reduce_sum3A_48 = vector.multi_reduction <add>, %reduce_sum3A_46, %reduce_sum3A_47 [1, 2] : vector<1x1x256xf32> to vector<1xf32>
    %reduce_sum3A_49 = vector.shape_cast %reduce_sum3A_48 : vector<1xf32> to vector<1x1x1xf32>
    %reduce_sum3A_50 = vector.extract %reduce_sum3A_49[0, 0, 0] : f32 from vector<1x1x1xf32>
    %reduce_sum3A_51 = vector.shape_cast %slice3A_38 : vector<1x256xf32> to vector<1x1x256xf32>
    %reduce_sum3A_52 = arith.constant dense<0.000000e+00> : vector<1xf32>
    %reduce_sum3A_53 = vector.multi_reduction <add>, %reduce_sum3A_51, %reduce_sum3A_52 [1, 2] : vector<1x1x256xf32> to vector<1xf32>
    %reduce_sum3A_54 = vector.shape_cast %reduce_sum3A_53 : vector<1xf32> to vector<1x1x1xf32>
    %reduce_sum3A_55 = vector.extract %reduce_sum3A_54[0, 0, 0] : f32 from vector<1x1x1xf32>
    %reduce_sum3A_56 = vector.shape_cast %slice3A_39 : vector<1x256xf32> to vector<1x1x256xf32>
    %reduce_sum3A_57 = arith.constant dense<0.000000e+00> : vector<1xf32>
    %reduce_sum3A_58 = vector.multi_reduction <add>, %reduce_sum3A_56, %reduce_sum3A_57 [1, 2] : vector<1x1x256xf32> to vector<1xf32>
    %reduce_sum3A_59 = vector.shape_cast %reduce_sum3A_58 : vector<1xf32> to vector<1x1x1xf32>
    %reduce_sum3A_60 = vector.extract %reduce_sum3A_59[0, 0, 0] : f32 from vector<1x1x1xf32>
    %reduce_sum3A_61 = vector.shape_cast %slice3A_40 : vector<1x256xf32> to vector<1x1x256xf32>
    %reduce_sum3A_62 = arith.constant dense<0.000000e+00> : vector<1xf32>
    %reduce_sum3A_63 = vector.multi_reduction <add>, %reduce_sum3A_61, %reduce_sum3A_62 [1, 2] : vector<1x1x256xf32> to vector<1xf32>
    %reduce_sum3A_64 = vector.shape_cast %reduce_sum3A_63 : vector<1xf32> to vector<1x1x1xf32>
    %reduce_sum3A_65 = vector.extract %reduce_sum3A_64[0, 0, 0] : f32 from vector<1x1x1xf32>
    %reduce_sum3A_66 = vector.shape_cast %slice3A_41 : vector<1x256xf32> to vector<1x1x256xf32>
    %reduce_sum3A_67 = arith.constant dense<0.000000e+00> : vector<1xf32>
    %reduce_sum3A_68 = vector.multi_reduction <add>, %reduce_sum3A_66, %reduce_sum3A_67 [1, 2] : vector<1x1x256xf32> to vector<1xf32>
    %reduce_sum3A_69 = vector.shape_cast %reduce_sum3A_68 : vector<1xf32> to vector<1x1x1xf32>
    %reduce_sum3A_70 = vector.extract %reduce_sum3A_69[0, 0, 0] : f32 from vector<1x1x1xf32>
    %swap3A = arith.constant 0 : index
    %swap3A_71 = arith.constant 0 : index
    %swap3A_72 = vector.load %arg2[%swap3A, %swap3A_71] : memref<1x1280xf32, #tpu.memory_space<vmem>>, vector<1x1280xf32>
    tpu.vector_store %arg2[%swap3A, %swap3A_71], %div3A_36 {strides = array<i32>} : memref<1x1280xf32, #tpu.memory_space<vmem>>, vector<1x1280xf32>,
    %swap3A_73 = arith.constant 0 : index
    %swap3A_74 = arith.constant 0 : index
    %swap3A_75 = vector.load %arg3[%swap3A_73, %swap3A_74] : memref<1x256xf32, #tpu.memory_space<vmem>>, vector<1x256xf32>
    tpu.vector_store %arg3[%swap3A_73, %swap3A_74], %add3A_45 {strides = array<i32>} : memref<1x256xf32, #tpu.memory_space<vmem>>, vector<1x256xf32>,
    %broadcast_in_dim3A_76 = vector.broadcast %reduce_sum3A_50 : f32 to vector<1x1xf32>
    %broadcast_in_dim3A_77 = vector.broadcast %reduce_sum3A_55 : f32 to vector<1x1xf32>
    %broadcast_in_dim3A_78 = vector.broadcast %reduce_sum3A_60 : f32 to vector<1x1xf32>
    %broadcast_in_dim3A_79 = vector.broadcast %reduce_sum3A_65 : f32 to vector<1x1xf32>
    %broadcast_in_dim3A_80 = vector.broadcast %reduce_sum3A_70 : f32 to vector<1x1xf32>
    %concatenate3A = tpu.concatenate %broadcast_in_dim3A_76, %broadcast_in_dim3A_77, %broadcast_in_dim3A_78, %broadcast_in_dim3A_79, %broadcast_in_dim3A_80 in 0 : vector<1x1xf32>, vector<1x1xf32>, vector<1x1xf32>, vector<1x1xf32>, vector<1x1xf32> -> vector<5x1xf32>
    %swap3A_81 = arith.constant 0 : index
    %swap3A_82 = arith.constant 0 : index
    %swap3A_83 = vector.load %arg4[%swap3A_81, %swap3A_82] : memref<5x1xf32, #tpu.memory_space<vmem>>, vector<5x1xf32>
    tpu.vector_store %arg4[%swap3A_81, %swap3A_82], %concatenate3A {strides = array<i32>} : memref<5x1xf32, #tpu.memory_space<vmem>>, vector<5x1xf32>,
    %add3A_84 = arith.constant 9.99999971E-10 : f32
    %add3A_85 = arith.addf %reduce_sum3A_50, %add3A_84 : f32
    %div3A_86 = vector.broadcast %add3A_85 : f32 to vector<1x256xf32>
    %div3A_87 = arith.divf %slice3A_37, %div3A_86 : vector<1x256xf32>
    %add3A_88 = arith.constant 9.99999971E-10 : f32
    %add3A_89 = arith.addf %reduce_sum3A_55, %add3A_88 : f32
    %div3A_90 = vector.broadcast %add3A_89 : f32 to vector<1x256xf32>
    %div3A_91 = arith.divf %slice3A_38, %div3A_90 : vector<1x256xf32>
    %add3A_92 = arith.constant 9.99999971E-10 : f32
    %add3A_93 = arith.addf %reduce_sum3A_60, %add3A_92 : f32
    %div3A_94 = vector.broadcast %add3A_93 : f32 to vector<1x256xf32>
    %div3A_95 = arith.divf %slice3A_39, %div3A_94 : vector<1x256xf32>
    %add3A_96 = arith.constant 9.99999971E-10 : f32
    %add3A_97 = arith.addf %reduce_sum3A_65, %add3A_96 : f32
    %div3A_98 = vector.broadcast %add3A_97 : f32 to vector<1x256xf32>
    %div3A_99 = arith.divf %slice3A_40, %div3A_98 : vector<1x256xf32>
    %add3A_100 = arith.constant 9.99999971E-10 : f32
    %add3A_101 = arith.addf %reduce_sum3A_70, %add3A_100 : f32
    %div3A_102 = vector.broadcast %add3A_101 : f32 to vector<1x256xf32>
    %div3A_103 = arith.divf %slice3A_41, %div3A_102 : vector<1x256xf32>
    %concatenate3A_104 = tpu.concatenate %div3A_87, %div3A_91, %div3A_95, %div3A_99, %div3A_103 in 1 : vector<1x256xf32>, vector<1x256xf32>, vector<1x256xf32>, vector<1x256xf32>, vector<1x256xf32> -> vector<1x1280xf32>
    %swap3A_105 = arith.constant 0 : index
    %swap3A_106 = arith.constant 0 : index
    %swap3A_107 = vector.load %arg5[%swap3A_105, %swap3A_106] : memref<1x1280xf32, #tpu.memory_space<vmem>>, vector<1x1280xf32>
    tpu.vector_store %arg5[%swap3A_105, %swap3A_106], %concatenate3A_104 {strides = array<i32>} : memref<1x1280xf32, #tpu.memory_space<vmem>>, vector<1x1280xf32>,
    %concatenate3A_108 = tpu.concatenate %add3A_45, %add3A_45, %add3A_45, %add3A_45, %add3A_45 in 1 : vector<1x256xf32>, vector<1x256xf32>, vector<1x256xf32>, vector<1x256xf32>, vector<1x256xf32> -> vector<1x1280xf32>
    %add3A_109 = arith.constant 9.99999971E-10 : f32
    %add3A_110 = vector.broadcast %add3A_109 : f32 to vector<1x1280xf32>
    %add3A_111 = arith.addf %concatenate3A_108, %add3A_110 : vector<1x1280xf32>
    %div3A_112 = arith.divf %div3A_36, %add3A_111 : vector<1x1280xf32>
    %swap3A_113 = arith.constant 0 : index
    %swap3A_114 = arith.constant 0 : index
    %swap3A_115 = vector.load %arg6[%swap3A_113, %swap3A_114] : memref<1x1280xf32, #tpu.memory_space<vmem>>, vector<1x1280xf32>
    tpu.vector_store %arg6[%swap3A_113, %swap3A_114], %div3A_112 {strides = array<i32>} : memref<1x1280xf32, #tpu.memory_space<vmem>>, vector<1x1280xf32>,
    return
  }
}

module attributes {stable_mosaic.version = 14 : i64} {
  func.func @_joint_body(%arg0: i32, %arg1: memref<1x3x512x512xf32, #tpu.memory_space<vmem>>, %arg2: memref<1x5x512x512xf32, #tpu.memory_space<vmem>>, %arg3: memref<1x1x128xf32, #tpu.memory_space<vmem>>, %arg4: memref<1x1x128xf32, #tpu.memory_space<vmem>>, %arg5: memref<1x1024x128xi32, #tpu.memory_space<vmem>>) attributes {dimension_semantics = [#tpu.dimension_semantics<arbitrary>], iteration_bounds = array<i64: 8>, scalar_prefetch = 0 : i64, scratch_operands = 0 : i64, tpu.core_type = #tpu.core_type<tc>, window_params = [{transform_indices = @transform_0, window_bounds = array<i64: 1, 3, 512, 512>}, {transform_indices = @transform_1, window_bounds = array<i64: 1, 5, 512, 512>}, {transform_indices = @transform_2, window_bounds = array<i64: 1, 1, 128>}, {transform_indices = @transform_3, window_bounds = array<i64: 1, 1, 128>}, {transform_indices = @transform_4, window_bounds = array<i64: 1, 1024, 128>}]} {
    %get3A = arith.constant 0 : index
    %get3A_0 = arith.constant 0 : index
    %get3A_1 = arith.constant 0 : index
    %get3A_2 = vector.load %arg3[%get3A, %get3A_0, %get3A_1] : memref<1x1x128xf32, #tpu.memory_space<vmem>>, vector<1x1x128xf32>
    %get3A_3 = vector.shape_cast %get3A_2 : vector<1x1x128xf32> to vector<1x128xf32>
    %slice3A = vector.extract_strided_slice %get3A_3 {offsets = [0, 0], sizes = [1, 1], strides = [1, 1]} : vector<1x128xf32> to vector<1x1xf32>
    %get3A_4 = arith.constant 0 : index
    %get3A_5 = arith.constant 0 : index
    %get3A_6 = arith.constant 0 : index
    %get3A_7 = vector.load %arg4[%get3A_4, %get3A_5, %get3A_6] : memref<1x1x128xf32, #tpu.memory_space<vmem>>, vector<1x1x128xf32>
    %get3A_8 = vector.shape_cast %get3A_7 : vector<1x1x128xf32> to vector<1x128xf32>
    %slice3A_9 = vector.extract_strided_slice %get3A_8 {offsets = [0, 0], sizes = [1, 1], strides = [1, 1]} : vector<1x128xf32> to vector<1x1xf32>
    %sub3A = arith.subf %slice3A_9, %slice3A : vector<1x1xf32>
    %add3A = arith.constant 9.99999971E-10 : f32
    %add3A_10 = vector.broadcast %add3A : f32 to vector<1x1xf32>
    %add3A_11 = arith.addf %sub3A, %add3A_10 : vector<1x1xf32>
    %get3A_12 = arith.constant 0 : index
    %get3A_13 = arith.constant 0 : index
    %get3A_14 = arith.constant 0 : index
    %get3A_15 = arith.constant 0 : index
    %get3A_16 = vector.load %arg1[%get3A_12, %get3A_13, %get3A_14, %get3A_15] : memref<1x3x512x512xf32, #tpu.memory_space<vmem>>, vector<1x3x512x512xf32>
    %get3A_17 = vector.shape_cast %get3A_16 : vector<1x3x512x512xf32> to vector<3x512x512xf32>
    %slice3A_18 = vector.extract_strided_slice %get3A_17 {offsets = [0, 0, 0], sizes = [1, 512, 512], strides = [1, 1, 1]} : vector<3x512x512xf32> to vector<1x512x512xf32>
    %squeeze3A = vector.shape_cast %slice3A_18 : vector<1x512x512xf32> to vector<512x512xf32>
    %sub3A_19 = vector.broadcast %slice3A : vector<1x1xf32> to vector<512x512xf32>
    %sub3A_20 = arith.subf %squeeze3A, %sub3A_19 : vector<512x512xf32>
    %div3A = vector.broadcast %add3A_11 : vector<1x1xf32> to vector<512x512xf32>
    %div3A_21 = arith.divf %sub3A_20, %div3A : vector<512x512xf32>
    %slice3A_22 = vector.extract_strided_slice %get3A_17 {offsets = [1, 0, 0], sizes = [1, 512, 512], strides = [1, 1, 1]} : vector<3x512x512xf32> to vector<1x512x512xf32>
    %squeeze3A_23 = vector.shape_cast %slice3A_22 : vector<1x512x512xf32> to vector<512x512xf32>
    %sub3A_24 = vector.broadcast %slice3A : vector<1x1xf32> to vector<512x512xf32>
    %sub3A_25 = arith.subf %squeeze3A_23, %sub3A_24 : vector<512x512xf32>
    %div3A_26 = vector.broadcast %add3A_11 : vector<1x1xf32> to vector<512x512xf32>
    %div3A_27 = arith.divf %sub3A_25, %div3A_26 : vector<512x512xf32>
    %slice3A_28 = vector.extract_strided_slice %get3A_17 {offsets = [2, 0, 0], sizes = [1, 512, 512], strides = [1, 1, 1]} : vector<3x512x512xf32> to vector<1x512x512xf32>
    %squeeze3A_29 = vector.shape_cast %slice3A_28 : vector<1x512x512xf32> to vector<512x512xf32>
    %sub3A_30 = vector.broadcast %slice3A : vector<1x1xf32> to vector<512x512xf32>
    %sub3A_31 = arith.subf %squeeze3A_29, %sub3A_30 : vector<512x512xf32>
    %div3A_32 = vector.broadcast %add3A_11 : vector<1x1xf32> to vector<512x512xf32>
    %div3A_33 = arith.divf %sub3A_31, %div3A_32 : vector<512x512xf32>
    %mul3A = arith.constant 2.990000e-01 : f32
    %mul3A_34 = vector.broadcast %mul3A : f32 to vector<512x512xf32>
    %mul3A_35 = arith.mulf %div3A_21, %mul3A_34 : vector<512x512xf32>
    %mul3A_36 = arith.constant 5.870000e-01 : f32
    %mul3A_37 = vector.broadcast %mul3A_36 : f32 to vector<512x512xf32>
    %mul3A_38 = arith.mulf %div3A_27, %mul3A_37 : vector<512x512xf32>
    %add3A_39 = arith.addf %mul3A_35, %mul3A_38 : vector<512x512xf32>
    %mul3A_40 = arith.constant 1.140000e-01 : f32
    %mul3A_41 = vector.broadcast %mul3A_40 : f32 to vector<512x512xf32>
    %mul3A_42 = arith.mulf %div3A_33, %mul3A_41 : vector<512x512xf32>
    %add3A_43 = arith.addf %add3A_39, %mul3A_42 : vector<512x512xf32>
    %mul3A_44 = arith.constant 2.550000e+02 : f32
    %mul3A_45 = vector.broadcast %mul3A_44 : f32 to vector<512x512xf32>
    %mul3A_46 = arith.mulf %add3A_43, %mul3A_45 : vector<512x512xf32>
    %convert_element_type3A = arith.fptosi %mul3A_46 : vector<512x512xf32> to vector<512x512xi32>
    %get3A_47 = arith.constant 0 : index
    %get3A_48 = arith.constant 0 : index
    %get3A_49 = arith.constant 0 : index
    %get3A_50 = arith.constant 0 : index
    %get3A_51 = vector.load %arg2[%get3A_47, %get3A_48, %get3A_49, %get3A_50] : memref<1x5x512x512xf32, #tpu.memory_space<vmem>>, vector<1x5x512x512xf32>
    %get3A_52 = vector.shape_cast %get3A_51 : vector<1x5x512x512xf32> to vector<5x512x512xf32>
    %slice3A_53 = vector.extract_strided_slice %get3A_52 {offsets = [0, 0, 0], sizes = [1, 512, 512], strides = [1, 1, 1]} : vector<5x512x512xf32> to vector<1x512x512xf32>
    %squeeze3A_54 = vector.shape_cast %slice3A_53 : vector<1x512x512xf32> to vector<512x512xf32>
    %slice3A_55 = vector.extract_strided_slice %get3A_52 {offsets = [1, 0, 0], sizes = [1, 512, 512], strides = [1, 1, 1]} : vector<5x512x512xf32> to vector<1x512x512xf32>
    %squeeze3A_56 = vector.shape_cast %slice3A_55 : vector<1x512x512xf32> to vector<512x512xf32>
    %max3A = arith.maximumf %squeeze3A_54, %squeeze3A_56 : vector<512x512xf32>
    %slice3A_57 = vector.extract_strided_slice %get3A_52 {offsets = [2, 0, 0], sizes = [1, 512, 512], strides = [1, 1, 1]} : vector<5x512x512xf32> to vector<1x512x512xf32>
    %squeeze3A_58 = vector.shape_cast %slice3A_57 : vector<1x512x512xf32> to vector<512x512xf32>
    %max3A_59 = arith.maximumf %max3A, %squeeze3A_58 : vector<512x512xf32>
    %slice3A_60 = vector.extract_strided_slice %get3A_52 {offsets = [3, 0, 0], sizes = [1, 512, 512], strides = [1, 1, 1]} : vector<5x512x512xf32> to vector<1x512x512xf32>
    %squeeze3A_61 = vector.shape_cast %slice3A_60 : vector<1x512x512xf32> to vector<512x512xf32>
    %max3A_62 = arith.maximumf %max3A_59, %squeeze3A_61 : vector<512x512xf32>
    %slice3A_63 = vector.extract_strided_slice %get3A_52 {offsets = [4, 0, 0], sizes = [1, 512, 512], strides = [1, 1, 1]} : vector<5x512x512xf32> to vector<1x512x512xf32>
    %squeeze3A_64 = vector.shape_cast %slice3A_63 : vector<1x512x512xf32> to vector<512x512xf32>
    %max3A_65 = arith.maximumf %max3A_62, %squeeze3A_64 : vector<512x512xf32>
    %broadcast_in_dim3A = arith.constant 4 : i32
    %broadcast_in_dim3A_66 = vector.broadcast %broadcast_in_dim3A : i32 to vector<512x512xi32>
    %slice3A_67 = vector.extract_strided_slice %get3A_52 {offsets = [3, 0, 0], sizes = [1, 512, 512], strides = [1, 1, 1]} : vector<5x512x512xf32> to vector<1x512x512xf32>
    %squeeze3A_68 = vector.shape_cast %slice3A_67 : vector<1x512x512xf32> to vector<512x512xf32>
    %eq3A = arith.cmpf oeq, %squeeze3A_68, %max3A_65 : vector<512x512xf32>
    %jit3A = arith.constant 3 : i32
    %broadcast_in_dim3A_69 = vector.broadcast %jit3A : i32 to vector<512x512xi32>
    %select_n3A = arith.select %eq3A, %broadcast_in_dim3A_69, %broadcast_in_dim3A_66 : vector<512x512xi1>, vector<512x512xi32>
    %slice3A_70 = vector.extract_strided_slice %get3A_52 {offsets = [2, 0, 0], sizes = [1, 512, 512], strides = [1, 1, 1]} : vector<5x512x512xf32> to vector<1x512x512xf32>
    %squeeze3A_71 = vector.shape_cast %slice3A_70 : vector<1x512x512xf32> to vector<512x512xf32>
    %eq3A_72 = arith.cmpf oeq, %squeeze3A_71, %max3A_65 : vector<512x512xf32>
    %jit3A_73 = arith.constant 2 : i32
    %broadcast_in_dim3A_74 = vector.broadcast %jit3A_73 : i32 to vector<512x512xi32>
    %select_n3A_75 = arith.select %eq3A_72, %broadcast_in_dim3A_74, %select_n3A : vector<512x512xi1>, vector<512x512xi32>
    %slice3A_76 = vector.extract_strided_slice %get3A_52 {offsets = [1, 0, 0], sizes = [1, 512, 512], strides = [1, 1, 1]} : vector<5x512x512xf32> to vector<1x512x512xf32>
    %squeeze3A_77 = vector.shape_cast %slice3A_76 : vector<1x512x512xf32> to vector<512x512xf32>
    %eq3A_78 = arith.cmpf oeq, %squeeze3A_77, %max3A_65 : vector<512x512xf32>
    %jit3A_79 = arith.constant 1 : i32
    %broadcast_in_dim3A_80 = vector.broadcast %jit3A_79 : i32 to vector<512x512xi32>
    %select_n3A_81 = arith.select %eq3A_78, %broadcast_in_dim3A_80, %select_n3A_75 : vector<512x512xi1>, vector<512x512xi32>
    %slice3A_82 = vector.extract_strided_slice %get3A_52 {offsets = [0, 0, 0], sizes = [1, 512, 512], strides = [1, 1, 1]} : vector<5x512x512xf32> to vector<1x512x512xf32>
    %squeeze3A_83 = vector.shape_cast %slice3A_82 : vector<1x512x512xf32> to vector<512x512xf32>
    %eq3A_84 = arith.cmpf oeq, %squeeze3A_83, %max3A_65 : vector<512x512xf32>
    %jit3A_85 = arith.constant 0 : i32
    %broadcast_in_dim3A_86 = vector.broadcast %jit3A_85 : i32 to vector<512x512xi32>
    %select_n3A_87 = arith.select %eq3A_84, %broadcast_in_dim3A_86, %select_n3A_81 : vector<512x512xi1>, vector<512x512xi32>
    %mul3A_88 = arith.constant 256 : i32
    %mul3A_89 = vector.broadcast %mul3A_88 : i32 to vector<512x512xi32>
    %mul3A_90 = arith.muli %select_n3A_87, %mul3A_89 : vector<512x512xi32>
    %add3A_91 = arith.addi %mul3A_90, %convert_element_type3A : vector<512x512xi32>
    %slice3A_92 = vector.extract_strided_slice %add3A_91 {offsets = [0, 0], sizes = [512, 128], strides = [1, 1]} : vector<512x512xi32> to vector<512x128xi32>
    %slice3A_93 = vector.extract_strided_slice %add3A_91 {offsets = [0, 128], sizes = [512, 128], strides = [1, 1]} : vector<512x512xi32> to vector<512x128xi32>
    %shift_left3A = arith.constant 16 : i32
    %shift_left3A_94 = vector.broadcast %shift_left3A : i32 to vector<512x128xi32>
    %shift_left3A_95 = arith.shli %slice3A_93, %shift_left3A_94 : vector<512x128xi32>
    %or3A = arith.ori %slice3A_92, %shift_left3A_95 : vector<512x128xi32>
    %swap3A = arith.constant 0 : index
    %swap3A_96 = arith.constant 0 : index
    %swap3A_97 = arith.constant 0 : index
    %swap3A_98 = vector.load %arg5[%swap3A, %swap3A_96, %swap3A_97] : memref<1x1024x128xi32, #tpu.memory_space<vmem>>, vector<1x512x128xi32>
    %swap3A_99 = vector.shape_cast %swap3A_98 : vector<1x512x128xi32> to vector<512x128xi32>
    %swap3A_100 = vector.shape_cast %or3A : vector<512x128xi32> to vector<1x512x128xi32>
    tpu.vector_store %arg5[%swap3A, %swap3A_96, %swap3A_97], %swap3A_100 {strides = array<i32>} : memref<1x1024x128xi32, #tpu.memory_space<vmem>>, vector<1x512x128xi32>,
    %slice3A_101 = vector.extract_strided_slice %add3A_91 {offsets = [0, 256], sizes = [512, 128], strides = [1, 1]} : vector<512x512xi32> to vector<512x128xi32>
    %slice3A_102 = vector.extract_strided_slice %add3A_91 {offsets = [0, 384], sizes = [512, 128], strides = [1, 1]} : vector<512x512xi32> to vector<512x128xi32>
    %shift_left3A_103 = arith.constant 16 : i32
    %shift_left3A_104 = vector.broadcast %shift_left3A_103 : i32 to vector<512x128xi32>
    %shift_left3A_105 = arith.shli %slice3A_102, %shift_left3A_104 : vector<512x128xi32>
    %or3A_106 = arith.ori %slice3A_101, %shift_left3A_105 : vector<512x128xi32>
    %swap3A_107 = arith.constant 0 : index
    %swap3A_108 = arith.constant 512 : index
    %swap3A_109 = arith.constant 0 : index
    %swap3A_110 = vector.load %arg5[%swap3A_107, %swap3A_108, %swap3A_109] : memref<1x1024x128xi32, #tpu.memory_space<vmem>>, vector<1x512x128xi32>
    %swap3A_111 = vector.shape_cast %swap3A_110 : vector<1x512x128xi32> to vector<512x128xi32>
    %swap3A_112 = vector.shape_cast %or3A_106 : vector<512x128xi32> to vector<1x512x128xi32>
    tpu.vector_store %arg5[%swap3A_107, %swap3A_108, %swap3A_109], %swap3A_112 {strides = array<i32>} : memref<1x1024x128xi32, #tpu.memory_space<vmem>>, vector<1x512x128xi32>,
    return
  }
  func.func @transform_0(%arg0: i32) -> (i32, i32, i32, i32) {
    %add3A = arith.constant 0 : i32
    %add3A_0 = arith.addi %add3A, %arg0 : i32
    %c0_i32 = arith.constant 0 : i32
    %c0_i32_1 = arith.constant 0 : i32
    %c0_i32_2 = arith.constant 0 : i32
    %c0_i32_3 = arith.constant 0 : i32
    return %add3A_0, %c0_i32, %c0_i32_1, %c0_i32_2 : i32, i32, i32, i32
  }
  func.func @transform_1(%arg0: i32) -> (i32, i32, i32, i32) {
    %add3A = arith.constant 0 : i32
    %add3A_0 = arith.addi %add3A, %arg0 : i32
    %c0_i32 = arith.constant 0 : i32
    %c0_i32_1 = arith.constant 0 : i32
    %c0_i32_2 = arith.constant 0 : i32
    %c0_i32_3 = arith.constant 0 : i32
    return %add3A_0, %c0_i32, %c0_i32_1, %c0_i32_2 : i32, i32, i32, i32
  }
  func.func @transform_2(%arg0: i32) -> (i32, i32, i32) {
    %add3A = arith.constant 0 : i32
    %add3A_0 = arith.addi %add3A, %arg0 : i32
    %c0_i32 = arith.constant 0 : i32
    %c0_i32_1 = arith.constant 0 : i32
    %c0_i32_2 = arith.constant 0 : i32
    return %add3A_0, %c0_i32, %c0_i32_1 : i32, i32, i32
  }
  func.func @transform_3(%arg0: i32) -> (i32, i32, i32) {
    %add3A = arith.constant 0 : i32
    %add3A_0 = arith.addi %add3A, %arg0 : i32
    %c0_i32 = arith.constant 0 : i32
    %c0_i32_1 = arith.constant 0 : i32
    %c0_i32_2 = arith.constant 0 : i32
    return %add3A_0, %c0_i32, %c0_i32_1 : i32, i32, i32
  }
  func.func @transform_4(%arg0: i32) -> (i32, i32, i32) {
    %c0_i32 = arith.constant 0 : i32
    %c0_i32_0 = arith.constant 0 : i32
    %c0_i32_1 = arith.constant 0 : i32
    return %arg0, %c0_i32, %c0_i32_0 : i32, i32, i32
  }
}

module attributes {stable_mosaic.version = 14 : i64} {
  func.func @_joint_body(%arg0: i32, %arg1: memref<1x3x512x512xf32, #tpu.memory_space<vmem>>, %arg2: memref<1x5x512x512xf32, #tpu.memory_space<vmem>>, %arg3: memref<1x1x128xf32, #tpu.memory_space<vmem>>, %arg4: memref<1x1x128xf32, #tpu.memory_space<vmem>>, %arg5: memref<1x1024x128xi32, #tpu.memory_space<vmem>>) attributes {dimension_semantics = [#tpu.dimension_semantics<arbitrary>], iteration_bounds = array<i64: 8>, scalar_prefetch = 0 : i64, scratch_operands = 0 : i64, tpu.core_type = #tpu.core_type<tc>, window_params = [{transform_indices = @transform_0, window_bounds = array<i64: 1, 3, 512, 512>}, {transform_indices = @transform_1, window_bounds = array<i64: 1, 5, 512, 512>}, {transform_indices = @transform_2, window_bounds = array<i64: 1, 1, 128>}, {transform_indices = @transform_3, window_bounds = array<i64: 1, 1, 128>}, {transform_indices = @transform_4, window_bounds = array<i64: 1, 1024, 128>}]} {
    %get3A = arith.constant 0 : index
    %get3A_0 = arith.constant 0 : index
    %get3A_1 = arith.constant 0 : index
    %get3A_2 = vector.load %arg3[%get3A, %get3A_0, %get3A_1] : memref<1x1x128xf32, #tpu.memory_space<vmem>>, vector<1x1x128xf32>
    %get3A_3 = vector.shape_cast %get3A_2 : vector<1x1x128xf32> to vector<1x128xf32>
    %slice3A = vector.extract_strided_slice %get3A_3 {offsets = [0, 0], sizes = [1, 1], strides = [1, 1]} : vector<1x128xf32> to vector<1x1xf32>
    %get3A_4 = arith.constant 0 : index
    %get3A_5 = arith.constant 0 : index
    %get3A_6 = arith.constant 0 : index
    %get3A_7 = vector.load %arg4[%get3A_4, %get3A_5, %get3A_6] : memref<1x1x128xf32, #tpu.memory_space<vmem>>, vector<1x1x128xf32>
    %get3A_8 = vector.shape_cast %get3A_7 : vector<1x1x128xf32> to vector<1x128xf32>
    %slice3A_9 = vector.extract_strided_slice %get3A_8 {offsets = [0, 0], sizes = [1, 1], strides = [1, 1]} : vector<1x128xf32> to vector<1x1xf32>
    %sub3A = arith.subf %slice3A_9, %slice3A : vector<1x1xf32>
    %add3A = arith.constant 9.99999971E-10 : f32
    %add3A_10 = vector.broadcast %add3A : f32 to vector<1x1xf32>
    %add3A_11 = arith.addf %sub3A, %add3A_10 : vector<1x1xf32>
    %get3A_12 = arith.constant 0 : index
    %get3A_13 = arith.constant 0 : index
    %get3A_14 = arith.constant 0 : index
    %get3A_15 = arith.constant 0 : index
    %get3A_16 = vector.load %arg1[%get3A_12, %get3A_13, %get3A_14, %get3A_15] : memref<1x3x512x512xf32, #tpu.memory_space<vmem>>, vector<1x3x512x512xf32>
    %get3A_17 = vector.shape_cast %get3A_16 : vector<1x3x512x512xf32> to vector<3x512x512xf32>
    %slice3A_18 = vector.extract_strided_slice %get3A_17 {offsets = [0, 0, 0], sizes = [1, 512, 512], strides = [1, 1, 1]} : vector<3x512x512xf32> to vector<1x512x512xf32>
    %squeeze3A = vector.shape_cast %slice3A_18 : vector<1x512x512xf32> to vector<512x512xf32>
    %sub3A_19 = vector.broadcast %slice3A : vector<1x1xf32> to vector<512x512xf32>
    %sub3A_20 = arith.subf %squeeze3A, %sub3A_19 : vector<512x512xf32>
    %div3A = vector.broadcast %add3A_11 : vector<1x1xf32> to vector<512x512xf32>
    %div3A_21 = arith.divf %sub3A_20, %div3A : vector<512x512xf32>
    %slice3A_22 = vector.extract_strided_slice %get3A_17 {offsets = [1, 0, 0], sizes = [1, 512, 512], strides = [1, 1, 1]} : vector<3x512x512xf32> to vector<1x512x512xf32>
    %squeeze3A_23 = vector.shape_cast %slice3A_22 : vector<1x512x512xf32> to vector<512x512xf32>
    %sub3A_24 = vector.broadcast %slice3A : vector<1x1xf32> to vector<512x512xf32>
    %sub3A_25 = arith.subf %squeeze3A_23, %sub3A_24 : vector<512x512xf32>
    %div3A_26 = vector.broadcast %add3A_11 : vector<1x1xf32> to vector<512x512xf32>
    %div3A_27 = arith.divf %sub3A_25, %div3A_26 : vector<512x512xf32>
    %slice3A_28 = vector.extract_strided_slice %get3A_17 {offsets = [2, 0, 0], sizes = [1, 512, 512], strides = [1, 1, 1]} : vector<3x512x512xf32> to vector<1x512x512xf32>
    %squeeze3A_29 = vector.shape_cast %slice3A_28 : vector<1x512x512xf32> to vector<512x512xf32>
    %sub3A_30 = vector.broadcast %slice3A : vector<1x1xf32> to vector<512x512xf32>
    %sub3A_31 = arith.subf %squeeze3A_29, %sub3A_30 : vector<512x512xf32>
    %div3A_32 = vector.broadcast %add3A_11 : vector<1x1xf32> to vector<512x512xf32>
    %div3A_33 = arith.divf %sub3A_31, %div3A_32 : vector<512x512xf32>
    %mul3A = arith.constant 2.990000e-01 : f32
    %mul3A_34 = vector.broadcast %mul3A : f32 to vector<512x512xf32>
    %mul3A_35 = arith.mulf %div3A_21, %mul3A_34 : vector<512x512xf32>
    %mul3A_36 = arith.constant 5.870000e-01 : f32
    %mul3A_37 = vector.broadcast %mul3A_36 : f32 to vector<512x512xf32>
    %mul3A_38 = arith.mulf %div3A_27, %mul3A_37 : vector<512x512xf32>
    %add3A_39 = arith.addf %mul3A_35, %mul3A_38 : vector<512x512xf32>
    %mul3A_40 = arith.constant 1.140000e-01 : f32
    %mul3A_41 = vector.broadcast %mul3A_40 : f32 to vector<512x512xf32>
    %mul3A_42 = arith.mulf %div3A_33, %mul3A_41 : vector<512x512xf32>
    %add3A_43 = arith.addf %add3A_39, %mul3A_42 : vector<512x512xf32>
    %mul3A_44 = arith.constant 2.550000e+02 : f32
    %mul3A_45 = vector.broadcast %mul3A_44 : f32 to vector<512x512xf32>
    %mul3A_46 = arith.mulf %add3A_43, %mul3A_45 : vector<512x512xf32>
    %convert_element_type3A = arith.fptosi %mul3A_46 : vector<512x512xf32> to vector<512x512xi32>
    %get3A_47 = arith.constant 0 : index
    %get3A_48 = arith.constant 0 : index
    %get3A_49 = arith.constant 0 : index
    %get3A_50 = arith.constant 0 : index
    %get3A_51 = vector.load %arg2[%get3A_47, %get3A_48, %get3A_49, %get3A_50] : memref<1x5x512x512xf32, #tpu.memory_space<vmem>>, vector<1x5x512x512xf32>
    %get3A_52 = vector.shape_cast %get3A_51 : vector<1x5x512x512xf32> to vector<5x512x512xf32>
    %slice3A_53 = vector.extract_strided_slice %get3A_52 {offsets = [0, 0, 0], sizes = [1, 512, 512], strides = [1, 1, 1]} : vector<5x512x512xf32> to vector<1x512x512xf32>
    %squeeze3A_54 = vector.shape_cast %slice3A_53 : vector<1x512x512xf32> to vector<512x512xf32>
    %slice3A_55 = vector.extract_strided_slice %get3A_52 {offsets = [1, 0, 0], sizes = [1, 512, 512], strides = [1, 1, 1]} : vector<5x512x512xf32> to vector<1x512x512xf32>
    %squeeze3A_56 = vector.shape_cast %slice3A_55 : vector<1x512x512xf32> to vector<512x512xf32>
    %max3A = arith.maximumf %squeeze3A_54, %squeeze3A_56 : vector<512x512xf32>
    %slice3A_57 = vector.extract_strided_slice %get3A_52 {offsets = [2, 0, 0], sizes = [1, 512, 512], strides = [1, 1, 1]} : vector<5x512x512xf32> to vector<1x512x512xf32>
    %squeeze3A_58 = vector.shape_cast %slice3A_57 : vector<1x512x512xf32> to vector<512x512xf32>
    %max3A_59 = arith.maximumf %max3A, %squeeze3A_58 : vector<512x512xf32>
    %slice3A_60 = vector.extract_strided_slice %get3A_52 {offsets = [3, 0, 0], sizes = [1, 512, 512], strides = [1, 1, 1]} : vector<5x512x512xf32> to vector<1x512x512xf32>
    %squeeze3A_61 = vector.shape_cast %slice3A_60 : vector<1x512x512xf32> to vector<512x512xf32>
    %max3A_62 = arith.maximumf %max3A_59, %squeeze3A_61 : vector<512x512xf32>
    %slice3A_63 = vector.extract_strided_slice %get3A_52 {offsets = [4, 0, 0], sizes = [1, 512, 512], strides = [1, 1, 1]} : vector<5x512x512xf32> to vector<1x512x512xf32>
    %squeeze3A_64 = vector.shape_cast %slice3A_63 : vector<1x512x512xf32> to vector<512x512xf32>
    %max3A_65 = arith.maximumf %max3A_62, %squeeze3A_64 : vector<512x512xf32>
    %broadcast_in_dim3A = arith.constant 4 : i32
    %broadcast_in_dim3A_66 = vector.broadcast %broadcast_in_dim3A : i32 to vector<512x512xi32>
    %slice3A_67 = vector.extract_strided_slice %get3A_52 {offsets = [3, 0, 0], sizes = [1, 512, 512], strides = [1, 1, 1]} : vector<5x512x512xf32> to vector<1x512x512xf32>
    %squeeze3A_68 = vector.shape_cast %slice3A_67 : vector<1x512x512xf32> to vector<512x512xf32>
    %eq3A = arith.cmpf oeq, %squeeze3A_68, %max3A_65 : vector<512x512xf32>
    %jit3A = arith.constant 3 : i32
    %broadcast_in_dim3A_69 = vector.broadcast %jit3A : i32 to vector<512x512xi32>
    %select_n3A = arith.select %eq3A, %broadcast_in_dim3A_69, %broadcast_in_dim3A_66 : vector<512x512xi1>, vector<512x512xi32>
    %slice3A_70 = vector.extract_strided_slice %get3A_52 {offsets = [2, 0, 0], sizes = [1, 512, 512], strides = [1, 1, 1]} : vector<5x512x512xf32> to vector<1x512x512xf32>
    %squeeze3A_71 = vector.shape_cast %slice3A_70 : vector<1x512x512xf32> to vector<512x512xf32>
    %eq3A_72 = arith.cmpf oeq, %squeeze3A_71, %max3A_65 : vector<512x512xf32>
    %jit3A_73 = arith.constant 2 : i32
    %broadcast_in_dim3A_74 = vector.broadcast %jit3A_73 : i32 to vector<512x512xi32>
    %select_n3A_75 = arith.select %eq3A_72, %broadcast_in_dim3A_74, %select_n3A : vector<512x512xi1>, vector<512x512xi32>
    %slice3A_76 = vector.extract_strided_slice %get3A_52 {offsets = [1, 0, 0], sizes = [1, 512, 512], strides = [1, 1, 1]} : vector<5x512x512xf32> to vector<1x512x512xf32>
    %squeeze3A_77 = vector.shape_cast %slice3A_76 : vector<1x512x512xf32> to vector<512x512xf32>
    %eq3A_78 = arith.cmpf oeq, %squeeze3A_77, %max3A_65 : vector<512x512xf32>
    %jit3A_79 = arith.constant 1 : i32
    %broadcast_in_dim3A_80 = vector.broadcast %jit3A_79 : i32 to vector<512x512xi32>
    %select_n3A_81 = arith.select %eq3A_78, %broadcast_in_dim3A_80, %select_n3A_75 : vector<512x512xi1>, vector<512x512xi32>
    %slice3A_82 = vector.extract_strided_slice %get3A_52 {offsets = [0, 0, 0], sizes = [1, 512, 512], strides = [1, 1, 1]} : vector<5x512x512xf32> to vector<1x512x512xf32>
    %squeeze3A_83 = vector.shape_cast %slice3A_82 : vector<1x512x512xf32> to vector<512x512xf32>
    %eq3A_84 = arith.cmpf oeq, %squeeze3A_83, %max3A_65 : vector<512x512xf32>
    %jit3A_85 = arith.constant 0 : i32
    %broadcast_in_dim3A_86 = vector.broadcast %jit3A_85 : i32 to vector<512x512xi32>
    %select_n3A_87 = arith.select %eq3A_84, %broadcast_in_dim3A_86, %select_n3A_81 : vector<512x512xi1>, vector<512x512xi32>
    %mul3A_88 = arith.constant 256 : i32
    %mul3A_89 = vector.broadcast %mul3A_88 : i32 to vector<512x512xi32>
    %mul3A_90 = arith.muli %select_n3A_87, %mul3A_89 : vector<512x512xi32>
    %add3A_91 = arith.addi %mul3A_90, %convert_element_type3A : vector<512x512xi32>
    %slice3A_92 = vector.extract_strided_slice %add3A_91 {offsets = [0, 0], sizes = [512, 128], strides = [1, 1]} : vector<512x512xi32> to vector<512x128xi32>
    %slice3A_93 = vector.extract_strided_slice %add3A_91 {offsets = [0, 128], sizes = [512, 128], strides = [1, 1]} : vector<512x512xi32> to vector<512x128xi32>
    %shift_left3A = arith.constant 16 : i32
    %shift_left3A_94 = vector.broadcast %shift_left3A : i32 to vector<512x128xi32>
    %shift_left3A_95 = arith.shli %slice3A_93, %shift_left3A_94 : vector<512x128xi32>
    %or3A = arith.ori %slice3A_92, %shift_left3A_95 : vector<512x128xi32>
    %swap3A = arith.constant 0 : index
    %swap3A_96 = arith.constant 0 : index
    %swap3A_97 = arith.constant 0 : index
    %swap3A_98 = vector.load %arg5[%swap3A, %swap3A_96, %swap3A_97] : memref<1x1024x128xi32, #tpu.memory_space<vmem>>, vector<1x512x128xi32>
    %swap3A_99 = vector.shape_cast %swap3A_98 : vector<1x512x128xi32> to vector<512x128xi32>
    %swap3A_100 = vector.shape_cast %or3A : vector<512x128xi32> to vector<1x512x128xi32>
    tpu.vector_store %arg5[%swap3A, %swap3A_96, %swap3A_97], %swap3A_100 {strides = array<i32>} : memref<1x1024x128xi32, #tpu.memory_space<vmem>>, vector<1x512x128xi32>,
    %slice3A_101 = vector.extract_strided_slice %add3A_91 {offsets = [0, 256], sizes = [512, 128], strides = [1, 1]} : vector<512x512xi32> to vector<512x128xi32>
    %slice3A_102 = vector.extract_strided_slice %add3A_91 {offsets = [0, 384], sizes = [512, 128], strides = [1, 1]} : vector<512x512xi32> to vector<512x128xi32>
    %shift_left3A_103 = arith.constant 16 : i32
    %shift_left3A_104 = vector.broadcast %shift_left3A_103 : i32 to vector<512x128xi32>
    %shift_left3A_105 = arith.shli %slice3A_102, %shift_left3A_104 : vector<512x128xi32>
    %or3A_106 = arith.ori %slice3A_101, %shift_left3A_105 : vector<512x128xi32>
    %swap3A_107 = arith.constant 0 : index
    %swap3A_108 = arith.constant 512 : index
    %swap3A_109 = arith.constant 0 : index
    %swap3A_110 = vector.load %arg5[%swap3A_107, %swap3A_108, %swap3A_109] : memref<1x1024x128xi32, #tpu.memory_space<vmem>>, vector<1x512x128xi32>
    %swap3A_111 = vector.shape_cast %swap3A_110 : vector<1x512x128xi32> to vector<512x128xi32>
    %swap3A_112 = vector.shape_cast %or3A_106 : vector<512x128xi32> to vector<1x512x128xi32>
    tpu.vector_store %arg5[%swap3A_107, %swap3A_108, %swap3A_109], %swap3A_112 {strides = array<i32>} : memref<1x1024x128xi32, #tpu.memory_space<vmem>>, vector<1x512x128xi32>,
    return
  }
  func.func @transform_0(%arg0: i32) -> (i32, i32, i32, i32) {
    %add3A = arith.constant 8 : i32
    %add3A_0 = arith.addi %add3A, %arg0 : i32
    %c0_i32 = arith.constant 0 : i32
    %c0_i32_1 = arith.constant 0 : i32
    %c0_i32_2 = arith.constant 0 : i32
    %c0_i32_3 = arith.constant 0 : i32
    return %add3A_0, %c0_i32, %c0_i32_1, %c0_i32_2 : i32, i32, i32, i32
  }
  func.func @transform_1(%arg0: i32) -> (i32, i32, i32, i32) {
    %add3A = arith.constant 8 : i32
    %add3A_0 = arith.addi %add3A, %arg0 : i32
    %c0_i32 = arith.constant 0 : i32
    %c0_i32_1 = arith.constant 0 : i32
    %c0_i32_2 = arith.constant 0 : i32
    %c0_i32_3 = arith.constant 0 : i32
    return %add3A_0, %c0_i32, %c0_i32_1, %c0_i32_2 : i32, i32, i32, i32
  }
  func.func @transform_2(%arg0: i32) -> (i32, i32, i32) {
    %add3A = arith.constant 8 : i32
    %add3A_0 = arith.addi %add3A, %arg0 : i32
    %c0_i32 = arith.constant 0 : i32
    %c0_i32_1 = arith.constant 0 : i32
    %c0_i32_2 = arith.constant 0 : i32
    return %add3A_0, %c0_i32, %c0_i32_1 : i32, i32, i32
  }
  func.func @transform_3(%arg0: i32) -> (i32, i32, i32) {
    %add3A = arith.constant 8 : i32
    %add3A_0 = arith.addi %add3A, %arg0 : i32
    %c0_i32 = arith.constant 0 : i32
    %c0_i32_1 = arith.constant 0 : i32
    %c0_i32_2 = arith.constant 0 : i32
    return %add3A_0, %c0_i32, %c0_i32_1 : i32, i32, i32
  }
  func.func @transform_4(%arg0: i32) -> (i32, i32, i32) {
    %c0_i32 = arith.constant 0 : i32
    %c0_i32_0 = arith.constant 0 : i32
    %c0_i32_1 = arith.constant 0 : i32
    return %arg0, %c0_i32, %c0_i32_0 : i32, i32, i32
  }
}

</mosaic_0001>

<sc_bundles>
// kernel: kernel.11.cloned.1.call-start
scs
__scs_entry_jumppad:
0x0: {  	(pc) =	sbr.rel $0x88, $3  }
0x1: {  	(tag) =	ssettag $0x0;
	lr =	simm.s32 $0x1  }
0x2: {  	[smem:$0x3F9F] =	sst lr;
	_ =	strace $0xD0000000  }
0x3: {  	_ = 	snop  }
0x4: {  	_ = 	snop  }
0x5: {  	_ = 	snop  }
0x6: {  	_ = 	snop  }
0x7: {  	_ = 	snop  }
__scs_overlays_trampoline_lowered:
0x8: {  	[smem:$0x3FAE] =	sst s0  }
0x9: {  	[smem:$0x3FAF] =	sst s1  }
0xa: {  	[smem:$0x3FB0] =	sst s2  }
0xb: {  	[smem:$0x3FB1] =	sst s3  }
0xc: {  	[smem:$0x3FB2] =	sst s4  }
0xd: {  	[smem:$0x3FB3] =	sst s5  }
0xe: {  	[smem:$0x3FB4] =	sst s6  }
0xf: {  	[smem:$0x3FB5] =	sst s7  }
0x10: {  	[smem:$0x3FB6] =	sst s8  }
0x11: {  	[smem:$0x3FB7] =	sst s9;
	s0 =	simm.s32 @!p0 $0x0  }
0x12: {  	s1 =	sld [smem:$0x3F9D];
	s0 =	simm.s32 @p0 $0x1  }
0x13: {  	[smem:$0x3FB8] =	sst s0;
	s0 =	simm.s32 @!p1 $0x0  }
0x14: {  	s2 =	sld [smem:$0x3F9C];
	s0 =	simm.s32 @p1 $0x1  }
0x15: {  	[smem:$0x3FB9] =	sst s0;
	s0 =	simm.s32 @!p2 $0x0  }
0x16: {  	s3 =	sld [smem:$0x3FDB];
	s0 =	simm.s32 @p2 $0x1  }
0x17: {  	s4 =	simm.s32 $0x1BF5;
	[smem:$0x3FBB] =	sst s0  }
0x18: {  	s0 =	sld [smem:$0x3F9E];
	_ =	swait.ge [sflag:s4], $0x0  }
0x19: {  	s7 =	sld [smem:$0x3F9F]  }
0x1a: {  	s8 =	sadd.s32 $0xFFFFE003, lr  }
0x1b: {  	s9 =	sadd.s32 $0xFFFFFEF7, lr;
	s5 =	simm.s32 $0xFFFFFFFF;
	p2 =	slt.u32 s8, $0xFFFFF086  }
0x1c: {  	p1 =	slt.u32 s9, $0xF7A;
	s5 =	simm.s32 @!p2 $0x0  }
0x1d: {  	s5 =	simm.s32 @p1 $0x1;
	p0 =	seq.s32 s7, s2  }
0x1e: {  	s7 =	smul.u32 @!p0 $0xF7A, s2;
	p2 =	seq.s32 @!p0 s5, $0x0  }
0x1f: {  	s9 =	smul.u32 $0xF7A, s1;
	s8 =	simm.s32 @!p0 $0x1BF5;
	p2 =	por !p2, p0  }
0x20: {  	[sflag:s8] =	ssyncset.s32 @!p0 $0xFFFFF086;
	s6 =	sadd.s32 @!p0 s3, s7;
	s7 =	simm.s32 @!p0 $0x108  }
0x21: {  	s3 =	sadd.s32 s3, s9;
	s6 =	sadd.s32 @!p0 $0x88, s6;
	s7 =	simm.s32 @p2 $0x1082  }
0x22: {  	[simem:s7], [sflag:s8] =	dma.local @!p0 [hbm:s6], $0xF7A  }
0x23: {  	s9 =	sor.u32 $0xD0000000, s2;
	s6 =	simm.s32 $0x108;
	_ =	swait.ge @!p0 [sflag:s8], $0x0  }
0x24: {  	s3 =	sadd.s32 $0x88, s3;
	s6 =	simm.s32 @!p1 $0x1082;
	[sflag:s4] =	ssyncset.s32 $0xFFFFF086  }
0x25: {  	[simem:s6], [sflag:s4] =	dma.local [hbm:s3], $0xF7A  }
0x26: {  	[smem:$0x3F9F] =	sst s1;
	(tag) =	ssettag s2;
	_ =	strace s9  }
0x27: {  	s1 =	sld [smem:$0x3FAF]  }
0x28: {  	s2 =	sld [smem:$0x3FB0]  }
0x29: {  	s4 =	sld [smem:$0x3FB2]  }
0x2a: {  	p0 =	seq.s32 s5, $0x0;
	s5 =	sld [smem:$0x3FB3]  }
0x2b: {  	s6 =	sld [smem:$0x3FB4]  }
0x2c: {  	s7 =	sld [smem:$0x3FB5]  }
0x2d: {  	s3 =	simm.s32 $0x108;
	s8 =	sld [smem:$0x3FB6]  }
0x2e: {  	s3 =	simm.s32 @!p0 $0x1082;
	s9 =	sld [smem:$0x3FB7]  }
0x2f: {  	lr =	sadd.s32 s0, s3;
	s0 =	sld [smem:$0x3FAE]  }
0x30: {  	s3 =	sld [smem:$0x3FB1]  }
0x31: {  	[smem:$0x3FBA] =	sst s10  }
0x32: {  	s10 =	sld [smem:$0x3FB8];
	_ =	sdelay $0x3  }
0x33: {  	p0 =	seq.s32 s10, $0x1;
	s10 =	sld [smem:$0x3FBA];
	_ =	sdelay $0x3  }
0x34: {  	[smem:$0x3FBA] =	sst s10  }
0x35: {  	s10 =	sld [smem:$0x3FB9];
	_ =	sdelay $0x3  }
0x36: {  	p1 =	seq.s32 s10, $0x1;
	s10 =	sld [smem:$0x3FBA];
	_ =	sdelay $0x3  }
0x37: {  	[smem:$0x3FBA] =	sst s10  }
0x38: {  	s10 =	sld [smem:$0x3FBB]  }
0x39: {  	_ = 	snop;
	(pc) =	sbr.ind lr, $3  }
0x3a: {  	_ = 	snop  }
0x3b: {  	_ = 	snop  }
0x3c: {  	p2 =	seq.s32 s10, $0x1;
	s10 =	sld [smem:$0x3FBA]  }
0x3d: {  	_ =	shalt  }
0x3e: {  	_ =	shalt  }
0x3f: {  	_ =	shalt  }
0x40: {  	_ =	shalt  }
0x41: {  	_ =	shalt  }
0x42: {  	_ =	shalt  }
0x43: {  	_ =	shalt  }
0x44: {  	_ =	shalt  }
0x45: {  	_ =	shalt  }
0x46: {  	_ =	shalt  }
0x47: {  	_ =	shalt  }
0x48: {  	_ =	shalt  }
0x49: {  	_ =	shalt  }
0x4a: {  	_ =	shalt  }
0x4b: {  	_ =	shalt  }
0x4c: {  	_ =	shalt  }
0x4d: {  	_ =	shalt  }
0x4e: {  	_ =	shalt  }
0x4f: {  	_ =	shalt  }
0x50: {  	_ =	shalt  }
0x51: {  	_ =	shalt  }
0x52: {  	_ =	shalt  }
0x53: {  	_ =	shalt  }
0x54: {  	_ =	shalt  }
0x55: {  	_ =	shalt  }
0x56: {  	_ =	shalt  }
0x57: {  	_ =	shalt  }
0x58: {  	_ =	shalt  }
0x59: {  	_ =	shalt  }
0x5a: {  	_ =	shalt  }
0x5b: {  	_ =	shalt  }
0x5c: {  	_ =	shalt  }
0x5d: {  	_ =	shalt  }
0x5e: {  	_ =	shalt  }
0x5f: {  	_ =	shalt  }
0x60: {  	_ =	shalt  }
0x61: {  	_ =	shalt  }
0x62: {  	_ =	shalt  }
0x63: {  	_ =	shalt  }
0x64: {  	_ =	shalt  }
0x65: {  	_ =	shalt  }
0x66: {  	_ =	shalt  }
0x67: {  	_ =	shalt  }
0x68: {  	_ =	shalt  }
0x69: {  	_ =	shalt  }
0x6a: {  	_ =	shalt  }
0x6b: {  	_ =	shalt  }
0x6c: {  	_ =	shalt  }
0x6d: {  	_ =	shalt  }
0x6e: {  	_ =	shalt  }
0x6f: {  	_ =	shalt  }
0x70: {  	_ =	shalt  }
0x71: {  	_ =	shalt  }
0x72: {  	_ =	shalt  }
0x73: {  	_ =	shalt  }
0x74: {  	_ =	shalt  }
0x75: {  	_ =	shalt  }
0x76: {  	_ =	shalt  }
0x77: {  	_ =	shalt  }
0x78: {  	_ =	shalt  }
0x79: {  	_ =	shalt  }
0x7a: {  	_ =	shalt  }
0x7b: {  	_ =	shalt  }
0x7c: {  	_ =	shalt  }
0x7d: {  	_ =	shalt  }
0x7e: {  	_ =	shalt  }
0x7f: {  	_ =	shalt  }
0x80: {  	_ =	shalt  }
0x81: {  	_ =	shalt  }
0x82: {  	_ =	shalt  }
0x83: {  	_ =	shalt  }
0x84: {  	_ =	shalt  }
0x85: {  	_ =	shalt  }
0x86: {  	_ =	shalt  }
0x87: {  	_ =	shalt  }
.Lfunc_end0:
.L_simem_size_0:
called_computation.1_lowered:
.L_overlay_start_0:
0x88: {  	s2 =	sld [smem:$0x3FD9]  }
0x89: {  	s3 =	sld [smem:$0x3FFE];
	_ =	sdelay $0x1  }
0x8a: {  	s1 =	srdreg.scid  }
0x8b: {  	s0 =	sand.u32 $0x1, s1  }
0x8c: {  	s16 =	sshll.u32 s0, $0xA;
	s2 =	sadd.s32 s3, s2  }
0x8d: {  	s2 =	sadd.s32 s2, s16  }
0x8e: {  	[smem:$0x3FC6] =	sst s2  }
0x8f: {  	_ = 	snop  }
0x90: {  	(tm) =	ssettm $0x1  }
0x91: {  	s17 =	sld [smem:$0x3FFB];
	_ =	sdelay $0x3  }
0x92: {  	_ =	strace s17  }
0x93: {  	s2 =	sld [smem:$0x3FFC];
	_ =	sdelay $0x3  }
0x94: {  	_ =	strace s2  }
0x95: {  	s2 =	sld [smem:$0x3FFD];
	_ =	sdelay $0x3  }
0x96: {  	_ =	strace s2  }
0x97: {  	_ =	strace $0x8FFFFFFF  }
0x98: {  	s18 =	sld [smem:$0x3FDB];
	_ =	sdelay $0x1  }
0x99: {  	s19 =	simm.s32 $_scs_section_size  }
0x9a: {  	s4 =	simm.s32 $_size__tile_overlayer_lowered;
	s5 =	simm.s32 $_tile_overlayer_lowered  }
0x9b: {  	s22 =	simm.s32 $0x1BFF;
	s21 =	sshll.u32 s5, $0x1;
	s2 =	sadd.s32 s19, s18  }
0x9c: {  	s6 =	simm.s32 $0x0;
	s20 =	sshll.u32 s4, $0x1;
	s4 =	sadd.s32 s21, s2  }
0x9d: {  	[timem:s6], [sflag:s22] =	dma.local [hbm:s4], s20  }
0x9e: {  	_ =	swait.ge [sflag:s22], s20  }
0x9f: {  	s3 =	ssub.s32 $0x0, s20;
	[sflag:s22] =	ssyncset.done $0x0  }
0xa0: {  	[sflag:s22] =	ssyncadd.s32 s3;
	_ =	sdelay $0x1  }
0xa1: {  	s23 =	simm.s32 $0x1B8B  }
0xa2: {  	_ =	swait.ge [sflag:s23], $0x1  }
0xa3: {  	[sflag:s23] =	ssyncset.done $0x0  }
0xa4: {  	s25 =	simm.s32 $0x1B8E;
	s24 =	sld [smem:$0x3FFE];
	[sflag:s23] =	ssyncadd.s32 $0xFFFFFFFF  }
0xa5: {  	s26 =	simm.s32 $execute0_lowered;
	[smem:$0x3FD2] =	sst s25  }
0xa6: {  	s4 =	sshll.u32 s26, $0x1;
	_ =	strace $0x80000046;
	[dreg:$0x1] =	wrdreg $0xFFFFFFFF  }
0xa7: {  	s28 =	simm.s32 $_size_execute0_lowered;
	s2 =	sadd.s32 s2, s4;
	[dreg:$0x0] =	wrdreg $0x0  }
0xa8: {  	s4 =	sshll.u32 s28, $0x1;
	[dreg:$0x2] =	wrdreg s2  }
0xa9: {  	[dreg:$0x3] =	wrdreg s4  }
0xaa: {  	[dreg:$0x4] =	wrdreg $0xC0  }
0xab: {  	_ =	task [dreg:s6], $0x5FFFF  }
0xac: {  	[dreg:$0x1] =	wrdreg $0xFFFFFFFF  }
0xad: {  	[dreg:$0x0] =	wrdreg $0x60  }
0xae: {  	[dreg:$0x2] =	wrdreg s24  }
0xaf: {  	[dreg:$0x3] =	wrdreg $0xA  }
0xb0: {  	_ =	task.clear_ibuf [dreg:s6], $0x4FFFF;
	_ =	strace $0x90000046  }
0xb1: {  	s29 =	simm.s32 $0xA;
	_ =	strace $0x80000048  }
0xb2: {  	_ =	swait.ge [sflag:s29], $0x1  }
0xb3: {  	[sflag:s29] =	ssyncadd.s32 $0xFFFFFFFF  }
0xb4: {  	_ =	strace $0x90000048  }
0xb5: {  	_ =	sfence  }
0xb6: {  	s30 =	sld [smem:$0x0];
	_ =	sdelay $0x2  }
0xb7: {  	s31 =	sshll.u32 s1, $0xD;
	s1 =	sshrl.u32 s1, $0x2  }
0xb8: {  	s3 =	sand.u32 $0x4000, s31;
	s1 =	sadd.s32 s1, s30  }
0xb9: {  	s0 =	sor.u32 s3, s0;
	s1 =	sshll.u32 s1, $0x11  }
0xba: {  	s0 =	sor.u32 s1, s0  }
0xbb: {  	s0 =	sadd.s32 $0x8F2B, s0  }
0xbc: {  	[sflag:s0] =	ssyncadd.remote.s32 $0x1  }
0xbd: {  	_ =	sfence.sel $0xFFFF  }
0xbe: {  	[dreg:$0x0] =	wrdreg $0xFFFFFFFF;
	(pc) =	sbr.abs _section_cstart, $3  }
0xbf: {  	[dreg:$0x1] =	wrdreg $0xFFFFFFFF  }
0xc0: {  	_ =	task.clear_ibuf [dreg:s6], $0x2FFFF;
	_ =	strace $0x9FFFFFFF  }
0xc1: {  	(tm) =	ssettm $0x7FFFFFFF  }
tec
execute0_lowered:
.L_overlay_start_1:
0x0: {  	(tag) =	ssettag $0x1  }
0x1: {  	s1 =	srdreg.scid  }
0x2: {  	s0 =	stileid.u32;
	s3 =	rddreg [dreg:$0x0];
	s8 =	simm.s32 $0x1  }
0x3: {  	s9 =	simm.s32 $0x8000;
	s10 =	simm.s32 $0x2;
	s11 =	simm.s32 $0x80  }
0x4: {  	s12 =	simm.s32 $0x400;
	s4 =	sand.u32 $0x1, s1;
	s2 =	sshll.u32 s0, $0x1  }
0x5: {  	s13 =	simm.s32 $0xD000;
	s6 =	sshrl.u32 s0, $0x2;
	s5 =	sor.u32 s4, s2  }
0x6: {  	s14 =	simm.s32 $0x3;
	s6 =	smul.u32 $0x2800, s6;
	s7 =	sshll.u32 s5, $0x7  }
0x7: {  	s15 =	simm.s32 $0x0;
	s1 =	rddreg [dreg:$0x1];
	s7 =	sand.u32 $0x380, s7  }
0x8: {  	s2 =	simm.s32 $0x0;
	s4 =	ssub.s32 $0x2, s4;
	s6 =	sor.u32 s6, s7  }
0x9: {  	[smem:$0x7FF] =	sst s2;
	s5 =	sshll.u32 s5, $0xC;
	s6 =	sshrl.u32 s6, $0x3  }
0xa: {  	s31 =	sshrl.u32 s4, $0x1;
	s6 =	sadd.s32 s6, s3;
	s3 =	sadd.s32 s3, s5  }
0xb: {  	v1 =	vlaneseq.u32;
	_ =	strace $0x80000047;
	s7 =	ssub.s32 s4, s31;
	s4 =	sadd.s32 $0x800, s3  }
0xc: {  	v0 =	vimm.s32 $0x0;
	v2 =	vimm.s32 $0x1;
	v1 =	vmul.u32 $0x500, v1;
	s5 =	sadd.s32 $0x20000, s6;
	s6 =	smax.u32 s7, $0x1;
	s7 =	simm.s32 $0x4000  }
.LBB2_1:
0xd: {  	[tilespmem:s2], [sflag:$0x1] =	stream.linear.gather [hbm4b:s3+s2], $0x4000, $0x38;
	[tilespmem:$0xD500] =	vst v63  }
0xe: {  	s16 =	simm.s32 $0x8040  }
0xf: {  	[tilespmem:s7], [sflag:$0x2] =	stream.linear.gather [hbm4b:s4+s2], $0x4000, $0x38;
	[tilespmem:$0xD500] =	vst v63  }
0x10: {  	[tilespmem:s16+$0xFFFFFFC0] =	vst v0  }
0x11: {  	[tilespmem:s16+$0x30] =	vst v0  }
0x12: {  	[tilespmem:s16+$0x20] =	vst v0  }
0x13: {  	[tilespmem:s16+$0x10] =	vst v0  }
0x14: {  	[tilespmem:s16+$0x0] =	vst v0  }
0x15: {  	[tilespmem:s16+$0xFFFFFFF0] =	vst v0  }
0x16: {  	s17 =	simm.s32 $0x0;
	[tilespmem:s16+$0xFFFFFFE0] =	vst v0  }
.LBB2_2:
0x17: {  	s17 =	sadd.s32 $0x8, s17;
	[tilespmem:s16+$0xFFFFFFD0] =	vst v0;
	s16 =	sadd.s32 $0x80, s16  }
0x18: {  	[tilespmem:s16+$0xFFFFFFC0] =	vst v0;
	p0 =	slt.u32 s17, $0x4F8  }
0x19: {  	[tilespmem:s16+$0x30] =	vst v0  }
.Ltmp0:
0x1a: {  	[tilespmem:s16+$0x20] =	vst v0;
	(pc) =	sbr.rel @p0 .LBB2_2-.Ltmp0, $4  }
0x1b: {  	[tilespmem:s16+$0x10] =	vst v0  }
0x1c: {  	[tilespmem:s16+$0x0] =	vst v0  }
0x1d: {  	[tilespmem:s16+$0xFFFFFFF0] =	vst v0  }
0x1e: {  	[tilespmem:s16+$0xFFFFFFE0] =	vst v0  }
0x1f: {  	[tilespmem:s16+$0xFFFFFFD0] =	vst v0  }
0x20: {  	_ =	swait.ge [sflag:s8], $0x4000  }
0x21: {  	[sflag:s8] =	ssyncset.done $0x0  }
0x22: {  	s31 =	simm.s32 $0x40;
	[sflag:s8] =	ssyncadd.s32 $0xFFFFC000  }
0x23: {  	v3 =	vld [tilespmem:s31+$0x30]  }
0x24: {  	v4 =	vld [tilespmem:s31+$0xFFFFFFD0]  }
0x25: {  	v7 =	vld [tilespmem:s31+$0x0]  }
0x26: {  	v5 =	vld [tilespmem:s31+$0x10]  }
0x27: {  	v6 =	vld [tilespmem:s31+$0xFFFFFFF0];
	_ =	sdelay $0x1  }
0x28: {  	v8 =	vshrl.u32 v3, $0x10;
	v3 =	vand.u32 $0xFFFF, v3  }
0x29: {  	v13 =	vand.u32 $0xFFFF, v4;
	v10 =	vshrl.u32 v7, $0x10;
	v9 =	vadd.s32 v1, v8  }
0x2a: {  	v8 =	vand.u32 $0x7F, v8;
	v3 =	vadd.s32 v1, v3;
	v9 =	vand.u32 $0x1FF80, v9  }
0x2b: {  	v12 =	vld [tilespmem:s31+$0xFFFFFFE0];
	v14 =	vshrl.u32 v6, $0x10;
	v8 =	vor.u32 v8, v9;
	v9 =	vand.u32 $0xFFFF, v5  }
0x2c: {  	v6 =	vand.u32 $0xFFFF, v6;
	v7 =	vand.u32 $0xFFFF, v7;
	v9 =	vadd.s32 v1, v9  }
0x2d: {  	v15 =	vand.u32 $0x7F, v14;
	v16 =	vand.u32 $0x7F, v10;
	v5 =	vshrl.u32 v5, $0x10  }
0x2e: {  	v17 =	vadd.s32 v1, v10;
	v11 =	vand.u32 $0x7F, v5;
	v5 =	vadd.s32 v1, v5  }
0x2f: {  	v18 =	vadd.s32 v1, v6;
	v5 =	vand.u32 $0x1FF80, v5;
	[tilespmem:v3+s9+$0x0] =	vst.idx.add.s32.msk $0xffff, v2;
	v3 =	vshrl.u32 v4, $0x10  }
0x30: {  	v4 =	vor.u32 v11, v5;
	v5 =	vshrl.u32 v12, $0x10;
	v10 =	vadd.s32 v1, v3;
	[tilespmem:v8+s9+$0x0] =	vst.idx.add.s32.msk $0xffff, v2  }
0x31: {  	v3 =	vand.u32 $0x7F, v3;
	v6 =	vand.u32 $0x1FF80, v10;
	[tilespmem:v9+s9+$0x0] =	vst.idx.add.s32.msk $0xffff, v2;
	v9 =	vadd.s32 v1, v5  }
0x32: {  	v8 =	vadd.s32 v1, v14;
	v10 =	vld [tilespmem:s31+$0xFFFFFFC0];
	v62 =	vand.u32 $0x1FF80, v9;
	v9 =	vadd.s32 v1, v7  }
0x33: {  	v11 =	vld [tilespmem:s31+$0x20];
	v3 =	vor.u32 v3, v6;
	v5 =	vand.u32 $0x7F, v5;
	v6 =	vand.u32 $0x1FF80, v17  }
0x34: {  	[tilespmem:v18+s9+$0x0] =	vst.idx.add.s32.msk $0xffff, v2;
	v63 =	vand.u32 $0x1FF80, v8;
	v7 =	vadd.s32 v1, v13;
	v6 =	vor.u32 v16, v6  }
0x35: {  	s16 =	simm.s32 $0x0;
	s17 =	simm.s32 $0xC0;
	v8 =	vand.u32 $0xFFFF, v12;
	[tilespmem:v4+s9+$0x0] =	vst.idx.add.s32.msk $0xffff, v2;
	v4 =	vor.u32 v5, v62;
	v5 =	vor.u32 v15, v63  }
.LBB2_4:
0x36: {  	v12 =	vld [tilespmem:s17+$0xFFFFFFD0];
	s16 =	sadd.s32 $0x8, s16  }
0x37: {  	v8 =	vadd.s32 v1, v8;
	p0 =	slt.u32 s16, $0x3F8;
	v13 =	vshrl.u32 v10, $0x10;
	v10 =	vand.u32 $0xFFFF, v10;
	[tilespmem:v9+s9+$0x0] =	vst.idx.add.s32.msk $0xffff, v2  }
0x38: {  	v9 =	vld [tilespmem:s17+$0x30];
	v14 =	vand.u32 $0x7F, v13;
	v15 =	vshrl.u32 v11, $0x10;
	v11 =	vand.u32 $0xFFFF, v11  }
0x39: {  	v10 =	vadd.s32 v1, v10;
	v16 =	vld [tilespmem:s17+$0xFFFFFFE0];
	v11 =	vadd.s32 v1, v11;
	v17 =	vadd.s32 v1, v15  }
0x3a: {  	v13 =	vadd.s32 v1, v13;
	v15 =	vand.u32 $0x7F, v15;
	v18 =	vld [tilespmem:s17+$0xFFFFFFF0];
	v17 =	vand.u32 $0x1FF80, v17  }
0x3b: {  	v13 =	vand.u32 $0x1FF80, v13;
	v19 =	vld [tilespmem:s17+$0x0];
	v15 =	vor.u32 v15, v17  }
0x3c: {  	v13 =	vor.u32 v14, v13;
	v17 =	vld [tilespmem:s17+$0x10]  }
0x3d: {  	v14 =	vshrl.u32 v9, $0x10;
	v9 =	vand.u32 $0xFFFF, v9;
	[tilespmem:v7+s9+$0x0] =	vst.idx.add.s32.msk $0xffff, v2  }
0x3e: {  	v7 =	vadd.s32 v1, v14;
	[tilespmem:v10+s9+$0x0] =	vst.idx.add.s32.msk $0xffff, v2  }
0x3f: {  	v9 =	vadd.s32 v1, v9;
	v10 =	vand.u32 $0x7F, v14;
	v7 =	vand.u32 $0x1FF80, v7;
	[tilespmem:v8+s9+$0x0] =	vst.idx.add.s32.msk $0xffff, v2  }
0x40: {  	v7 =	vor.u32 v10, v7;
	[tilespmem:v6+s9+$0x0] =	vst.idx.add.s32.msk $0xffff, v2  }
0x41: {  	[tilespmem:v11+s9+$0x0] =	vst.idx.add.s32.msk $0xffff, v2  }
0x42: {  	v6 =	vand.u32 $0xFFFF, v12;
	v8 =	vshrl.u32 v17, $0x10;
	v10 =	vand.u32 $0xFFFF, v17;
	[tilespmem:v13+s9+$0x0] =	vst.idx.add.s32.msk $0xffff, v2  }
0x43: {  	v11 =	vshrl.u32 v19, $0x10;
	v10 =	vadd.s32 v1, v10;
	v13 =	vand.u32 $0x7F, v8;
	[tilespmem:v15+s9+$0x0] =	vst.idx.add.s32.msk $0xffff, v2  }
0x44: {  	v14 =	vshrl.u32 v18, $0x10;
	v17 =	vand.u32 $0xFFFF, v19;
	v15 =	vand.u32 $0xFFFF, v18;
	[tilespmem:v5+s9+$0x0] =	vst.idx.add.s32.msk $0xffff, v2  }
0x45: {  	v8 =	vadd.s32 v1, v8;
	v18 =	vand.u32 $0x7F, v11;
	v5 =	vand.u32 $0x7F, v14;
	[tilespmem:v9+s9+$0x0] =	vst.idx.add.s32.msk $0xffff, v2  }
0x46: {  	v19 =	vshrl.u32 v16, $0x10;
	v11 =	vadd.s32 v1, v11;
	v9 =	vand.u32 $0x1FF80, v8;
	[tilespmem:v4+s9+$0x0] =	vst.idx.add.s32.msk $0xffff, v2  }
0x47: {  	v8 =	vand.u32 $0xFFFF, v16;
	v4 =	vshrl.u32 v12, $0x10;
	v12 =	vor.u32 v13, v9;
	[tilespmem:v3+s9+$0x0] =	vst.idx.add.s32.msk $0xffff, v2  }
0x48: {  	v13 =	vadd.s32 v1, v15;
	v3 =	vadd.s32 v1, v4;
	v4 =	vand.u32 $0x7F, v4;
	[tilespmem:v10+s9+$0x0] =	vst.idx.add.s32.msk $0xffff, v2  }
.Ltmp1:
0x49: {  	v14 =	vadd.s32 v1, v14;
	v9 =	vadd.s32 v1, v19;
	v3 =	vand.u32 $0x1FF80, v3;
	[tilespmem:v7+s9+$0x0] =	vst.idx.add.s32.msk $0xffff, v2;
	(pc) =	sbr.rel @p0 .LBB2_4-.Ltmp1, $4  }
0x4a: {  	v3 =	vor.u32 v4, v3;
	v4 =	vand.u32 $0x1FF80, v9;
	v9 =	vadd.s32 v1, v17;
	v10 =	vld [tilespmem:s17+$0xFFFFFFC0]  }
0x4b: {  	v14 =	vand.u32 $0x1FF80, v14;
	v16 =	vand.u32 $0x1FF80, v11;
	v15 =	vand.u32 $0x7F, v19;
	v11 =	vld [tilespmem:s17+$0x20]  }
0x4c: {  	v7 =	vadd.s32 v1, v6;
	v6 =	vor.u32 v18, v16;
	[tilespmem:v12+s9+$0x0] =	vst.idx.add.s32.msk $0xffff, v2  }
0x4d: {  	v5 =	vor.u32 v5, v14;
	v4 =	vor.u32 v15, v4;
	s17 =	sadd.s32 $0x80, s17;
	[tilespmem:v13+s9+$0x0] =	vst.idx.add.s32.msk $0xffff, v2  }
0x4e: {  	_ =	sdelay $0x3  }
0x4f: {  	v8 =	vadd.s32 v1, v8;
	[tilespmem:v9+s9+$0x0] =	vst.idx.add.s32.msk $0xffff, v2;
	v12 =	vand.u32 $0xFFFF, v10;
	v10 =	vshrl.u32 v10, $0x10  }
0x50: {  	[tilespmem:v7+s9+$0x0] =	vst.idx.add.s32.msk $0xffff, v2;
	v12 =	vadd.s32 v1, v12;
	v13 =	vand.u32 $0x7F, v10  }
0x51: {  	[tilespmem:v5+s9+$0x0] =	vst.idx.add.s32.msk $0xffff, v2;
	v14 =	vshrl.u32 v11, $0x10;
	v11 =	vand.u32 $0xFFFF, v11;
	v10 =	vadd.s32 v1, v10  }
0x52: {  	[tilespmem:v6+s9+$0x0] =	vst.idx.add.s32.msk $0xffff, v2;
	v9 =	vadd.s32 v1, v11;
	v11 =	vadd.s32 v1, v14;
	v10 =	vand.u32 $0x1FF80, v10  }
0x53: {  	[tilespmem:v3+s9+$0x0] =	vst.idx.add.s32.msk $0xffff, v2;
	v14 =	vand.u32 $0x7F, v14;
	v11 =	vand.u32 $0x1FF80, v11;
	v10 =	vor.u32 v13, v10  }
0x54: {  	v7 =	vor.u32 v14, v11;
	[tilespmem:v8+s9+$0x0] =	vst.idx.add.s32.msk $0xffff, v2  }
0x55: {  	[tilespmem:v4+s9+$0x0] =	vst.idx.add.s32.msk $0xffff, v2  }
0x56: {  	[tilespmem:v12+s9+$0x0] =	vst.idx.add.s32.msk $0xffff, v2  }
0x57: {  	[tilespmem:v9+s9+$0x0] =	vst.idx.add.s32.msk $0xffff, v2  }
0x58: {  	[tilespmem:v10+s9+$0x0] =	vst.idx.add.s32.msk $0xffff, v2  }
0x59: {  	[tilespmem:v7+s9+$0x0] =	vst.idx.add.s32.msk $0xffff, v2  }
0x5a: {  	_ =	swait.ge [sflag:s10], $0x4000  }
0x5b: {  	[sflag:s10] =	ssyncset.done $0x0  }
0x5c: {  	s16 =	simm.s32 $0x4040;
	[sflag:s10] =	ssyncadd.s32 $0xFFFFC000  }
0x5d: {  	v3 =	vld [tilespmem:s16+$0x30];
	_ =	sdelay $0x2  }
0x5e: {  	v4 =	vld [tilespmem:s16+$0xFFFFFFF0]  }
0x5f: {  	v5 =	vld [tilespmem:s16+$0x0]  }
0x60: {  	v7 =	vld [tilespmem:s16+$0xFFFFFFE0];
	v6 =	vshrl.u32 v3, $0x10  }
0x61: {  	v3 =	vand.u32 $0xFFFF, v3;
	v8 =	vadd.s32 v1, v6  }
0x62: {  	v9 =	vld [tilespmem:s16+$0xFFFFFFD0];
	v3 =	vadd.s32 v1, v3;
	v6 =	vand.u32 $0x7F, v6;
	v8 =	vand.u32 $0x1FF80, v8  }
0x63: {  	v6 =	vor.u32 v6, v8;
	v8 =	vand.u32 $0xFFFF, v4  }
0x64: {  	v11 =	vadd.s32 v1, v8  }
0x65: {  	v12 =	vshrl.u32 v5, $0x10;
	v8 =	vshrl.u32 v7, $0x10;
	v7 =	vand.u32 $0xFFFF, v7  }
0x66: {  	s17 =	simm.s32 $0x8000;
	v10 =	vld [tilespmem:s16+$0xFFFFFFC0];
	v13 =	vshrl.u32 v4, $0x10;
	v5 =	vand.u32 $0xFFFF, v5;
	v14 =	vadd.s32 v1, v7  }
0x67: {  	v4 =	vand.u32 $0xFFFF, v9;
	v9 =	vshrl.u32 v9, $0x10;
	v7 =	vadd.s32 v1, v8;
	[tilespmem:v3+s17+$0x0] =	vst.idx.add.s32.msk $0xffff, v2  }
0x68: {  	[tilespmem:v6+s17+$0x0] =	vst.idx.add.s32.msk $0xffff, v2;
	v6 =	vand.u32 $0x7F, v8;
	v8 =	vadd.s32 v1, v4;
	v4 =	vadd.s32 v1, v9  }
0x69: {  	v15 =	vand.u32 $0x1FF80, v7;
	v9 =	vand.u32 $0x7F, v9;
	v7 =	vand.u32 $0x1FF80, v4;
	[tilespmem:v11+s17+$0x0] =	vst.idx.add.s32.msk $0xffff, v2  }
0x6a: {  	v3 =	vadd.s32 v1, v12;
	v11 =	vld [tilespmem:s16+$0x20];
	v7 =	vor.u32 v9, v7;
	v9 =	vadd.s32 v1, v13  }
0x6b: {  	v4 =	vand.u32 $0x7F, v12;
	[tilespmem:v14+s17+$0x0] =	vst.idx.add.s32.msk $0xffff, v2;
	v13 =	vand.u32 $0x7F, v13;
	v12 =	vand.u32 $0x1FF80, v9  }
0x6c: {  	s18 =	simm.s32 $0x0;
	s19 =	simm.s32 $0x40C0;
	v6 =	vor.u32 v6, v15;
	v9 =	vadd.s32 v1, v5;
	v5 =	vor.u32 v13, v12;
	v12 =	vld [tilespmem:s16+$0x10]  }
.LBB2_6:
0x6d: {  	v13 =	vld [tilespmem:s19+$0xFFFFFFD0];
	s18 =	sadd.s32 $0x8, s18;
	v14 =	vshrl.u32 v10, $0x10;
	v10 =	vand.u32 $0xFFFF, v10;
	s16 =	simm.s32 $0xD010  }
0x6e: {  	v15 =	vld [tilespmem:s19+$0x0];
	p0 =	slt.u32 s18, $0x3F8;
	v10 =	vadd.s32 v1, v10;
	v16 =	vadd.s32 v1, v14  }
0x6f: {  	v14 =	vand.u32 $0x7F, v14;
	v17 =	vld [tilespmem:s19+$0x30];
	v16 =	vand.u32 $0x1FF80, v16;
	v18 =	vshrl.u32 v11, $0x10  }
0x70: {  	v14 =	vor.u32 v14, v16;
	[tilespmem:v8+s17+$0x0] =	vst.idx.add.s32.msk $0xffff, v2;
	v8 =	vand.u32 $0xFFFF, v11;
	v11 =	vand.u32 $0x7F, v18  }
0x71: {  	v16 =	vadd.s32 v1, v18;
	[tilespmem:v9+s17+$0x0] =	vst.idx.add.s32.msk $0xffff, v2;
	v9 =	vshrl.u32 v12, $0x10;
	v12 =	vand.u32 $0xFFFF, v12  }
0x72: {  	v8 =	vadd.s32 v1, v8;
	v16 =	vand.u32 $0x1FF80, v16;
	v18 =	vld [tilespmem:s19+$0xFFFFFFE0];
	v12 =	vadd.s32 v1, v12  }
0x73: {  	v20 =	vadd.s32 v1, v9;
	v9 =	vand.u32 $0x7F, v9;
	v11 =	vor.u32 v11, v16;
	v19 =	vld [tilespmem:s19+$0xFFFFFFF0]  }
0x74: {  	v16 =	vshrl.u32 v17, $0x10;
	v17 =	vand.u32 $0xFFFF, v17;
	[tilespmem:v7+s17+$0x0] =	vst.idx.add.s32.msk $0xffff, v2;
	v7 =	vand.u32 $0x1FF80, v20  }
0x75: {  	v3 =	vand.u32 $0x1FF80, v3;
	v20 =	vadd.s32 v1, v16;
	[tilespmem:v10+s17+$0x0] =	vst.idx.add.s32.msk $0xffff, v2;
	v7 =	vor.u32 v9, v7  }
0x76: {  	v4 =	vor.u32 v4, v3;
	[tilespmem:v14+s17+$0x0] =	vst.idx.add.s32.msk $0xffff, v2  }
0x77: {  	v9 =	vadd.s32 v1, v17;
	v10 =	vand.u32 $0x7F, v16;
	v3 =	vand.u32 $0x1FF80, v20;
	[tilespmem:v8+s17+$0x0] =	vst.idx.add.s32.msk $0xffff, v2  }
0x78: {  	v10 =	vor.u32 v10, v3;
	[tilespmem:v11+s17+$0x0] =	vst.idx.add.s32.msk $0xffff, v2  }
0x79: {  	[tilespmem:v12+s17+$0x0] =	vst.idx.add.s32.msk $0xffff, v2  }
0x7a: {  	[tilespmem:v6+s17+$0x0] =	vst.idx.add.s32.msk $0xffff, v2  }
0x7b: {  	v3 =	vand.u32 $0xFFFF, v19;
	v6 =	vshrl.u32 v15, $0x10;
	[tilespmem:v7+s17+$0x0] =	vst.idx.add.s32.msk $0xffff, v2  }
0x7c: {  	v12 =	vshrl.u32 v19, $0x10;
	v11 =	vadd.s32 v1, v3;
	v7 =	vshrl.u32 v18, $0x10;
	[tilespmem:v5+s17+$0x0] =	vst.idx.add.s32.msk $0xffff, v2  }
0x7d: {  	v8 =	vand.u32 $0xFFFF, v18;
	v3 =	vadd.s32 v1, v6;
	v5 =	vand.u32 $0xFFFF, v13;
	[tilespmem:v4+s17+$0x0] =	vst.idx.add.s32.msk $0xffff, v2  }
0x7e: {  	v14 =	vadd.s32 v1, v8;
	v16 =	vand.u32 $0x7F, v7;
	v4 =	vadd.s32 v1, v7;
	[tilespmem:v9+s17+$0x0] =	vst.idx.add.s32.msk $0xffff, v2  }
0x7f: {  	v7 =	vshrl.u32 v13, $0x10;
	v8 =	vadd.s32 v1, v5;
	[tilespmem:v10+s17+$0x0] =	vst.idx.add.s32.msk $0xffff, v2  }
.Ltmp2:
0x80: {  	v5 =	vadd.s32 v1, v7;
	v13 =	vand.u32 $0x1FF80, v4;
	v4 =	vand.u32 $0x7F, v6;
	v10 =	vld [tilespmem:s19+$0xFFFFFFC0];
	(pc) =	sbr.rel @p0 .LBB2_6-.Ltmp2, $4  }
0x81: {  	v6 =	vand.u32 $0x7F, v7;
	v9 =	vand.u32 $0xFFFF, v15;
	v5 =	vand.u32 $0x1FF80, v5;
	[tilespmem:v11+s17+$0x0] =	vst.idx.add.s32.msk $0xffff, v2  }
0x82: {  	v9 =	vadd.s32 v1, v9;
	v7 =	vor.u32 v6, v5;
	v5 =	vadd.s32 v1, v12;
	v11 =	vld [tilespmem:s19+$0x20]  }
0x83: {  	v6 =	vor.u32 v16, v13;
	v12 =	vand.u32 $0x7F, v12;
	v5 =	vand.u32 $0x1FF80, v5;
	[tilespmem:v14+s17+$0x0] =	vst.idx.add.s32.msk $0xffff, v2  }
0x84: {  	s20 =	simm.s32 $0x0;
	v5 =	vor.u32 v12, v5;
	v12 =	vld [tilespmem:s19+$0x10];
	s19 =	sadd.s32 $0x80, s19  }
0x85: {  	_ =	sdelay $0x1  }
0x86: {  	v13 =	vshrl.u32 v10, $0x10;
	v10 =	vand.u32 $0xFFFF, v10  }
0x87: {  	v3 =	vand.u32 $0x1FF80, v3;
	v10 =	vadd.s32 v1, v10  }
0x88: {  	[tilespmem:v8+s17+$0x0] =	vst.idx.add.s32.msk $0xffff, v2;
	v14 =	vadd.s32 v1, v13;
	v13 =	vand.u32 $0x7F, v13;
	v3 =	vor.u32 v4, v3  }
0x89: {  	[tilespmem:v9+s17+$0x0] =	vst.idx.add.s32.msk $0xffff, v2;
	v14 =	vand.u32 $0x1FF80, v14;
	v15 =	vshrl.u32 v11, $0x10;
	v11 =	vand.u32 $0xFFFF, v11  }
0x8a: {  	[tilespmem:v6+s17+$0x0] =	vst.idx.add.s32.msk $0xffff, v2;
	v13 =	vor.u32 v13, v14;
	v59 =	vadd.s32 v1, v15;
	v8 =	vand.u32 $0x7F, v15  }
0x8b: {  	[tilespmem:v5+s17+$0x0] =	vst.idx.add.s32.msk $0xffff, v2;
	v11 =	vadd.s32 v1, v11;
	v14 =	vand.u32 $0x1FF80, v59;
	v9 =	vshrl.u32 v12, $0x10  }
0x8c: {  	[tilespmem:v7+s17+$0x0] =	vst.idx.add.s32.msk $0xffff, v2;
	v60 =	vand.u32 $0xFFFF, v12;
	v8 =	vor.u32 v8, v14;
	v61 =	vadd.s32 v1, v9  }
0x8d: {  	v12 =	vadd.s32 v1, v60;
	v7 =	vand.u32 $0x7F, v9;
	v9 =	vand.u32 $0x1FF80, v61;
	[tilespmem:v10+s17+$0x0] =	vst.idx.add.s32.msk $0xffff, v2  }
0x8e: {  	[tilespmem:v3+s17+$0x0] =	vst.idx.add.s32.msk $0xffff, v2;
	v7 =	vor.u32 v7, v9  }
0x8f: {  	[tilespmem:v13+s17+$0x0] =	vst.idx.add.s32.msk $0xffff, v2  }
0x90: {  	[tilespmem:v11+s17+$0x0] =	vst.idx.add.s32.msk $0xffff, v2  }
0x91: {  	[tilespmem:v8+s17+$0x0] =	vst.idx.add.s32.msk $0xffff, v2  }
0x92: {  	[tilespmem:v12+s17+$0x0] =	vst.idx.add.s32.msk $0xffff, v2  }
0x93: {  	[tilespmem:v7+s17+$0x0] =	vst.idx.add.s32.msk $0xffff, v2  }
0x94: {  	s18 =	sand.u32 $0x7E0, s20;
	v3 =	vld [tilespmem:s17+$0x0]  }
0x95: {  	v4 =	vld [tilespmem:s18+$0x8500]  }
0x96: {  	v5 =	vld [tilespmem:s18+$0x8A00]  }
0x97: {  	v6 =	vld [tilespmem:s18+$0x8F00]  }
0x98: {  	v7 =	vld [tilespmem:s18+$0x9400]  }
0x99: {  	v8 =	vld [tilespmem:s18+$0x9900]  }
0x9a: {  	v9 =	vld [tilespmem:s18+$0x9E00]  }
0x9b: {  	v10 =	vld [tilespmem:s18+$0xA300]  }
0x9c: {  	v11 =	vld [tilespmem:s18+$0xA800]  }
0x9d: {  	v12 =	vld [tilespmem:s18+$0xAD00]  }
0x9e: {  	v13 =	vld [tilespmem:s18+$0xB200]  }
0x9f: {  	v62 =	vld [tilespmem:s18+$0xB700]  }
0xa0: {  	v63 =	vld [tilespmem:s18+$0xBC00]  }
0xa1: {  	v16 =	vld [tilespmem:s18+$0xC100]  }
0xa2: {  	v17 =	vld [tilespmem:s18+$0xC600]  }
0xa3: {  	v18 =	vld [tilespmem:s18+$0xCB00]  }
0xa4: {  	v3 =	vadd.s32 v3, v4;
	v4 =	vld [tilespmem:s17+$0x10]  }
0xa5: {  	v3 =	vadd.s32 v5, v3;
	v5 =	vld [tilespmem:s17+$0x510]  }
0xa6: {  	v3 =	vadd.s32 v6, v3;
	v6 =	vld [tilespmem:s17+$0xA10]  }
0xa7: {  	v3 =	vadd.s32 v7, v3;
	v7 =	vld [tilespmem:s17+$0xF10]  }
0xa8: {  	v3 =	vadd.s32 v8, v3;
	v8 =	vld [tilespmem:s17+$0x1410]  }
0xa9: {  	v3 =	vadd.s32 v9, v3;
	v9 =	vld [tilespmem:s17+$0x1910]  }
0xaa: {  	v3 =	vadd.s32 v10, v3;
	v4 =	vadd.s32 v4, v5;
	v5 =	vld [tilespmem:s17+$0x1E10]  }
0xab: {  	v3 =	vadd.s32 v11, v3;
	v4 =	vadd.s32 v6, v4;
	v6 =	vld [tilespmem:s17+$0x2310]  }
0xac: {  	v3 =	vadd.s32 v12, v3;
	v4 =	vadd.s32 v7, v4;
	v7 =	vld [tilespmem:s17+$0x2810]  }
0xad: {  	v3 =	vadd.s32 v13, v3;
	v4 =	vadd.s32 v8, v4;
	v8 =	vld [tilespmem:s17+$0x2D10]  }
0xae: {  	v3 =	vadd.s32 v62, v3;
	v4 =	vadd.s32 v9, v4;
	v9 =	vld [tilespmem:s17+$0x3210]  }
0xaf: {  	v10 =	vadd.s32 v63, v3;
	v4 =	vadd.s32 v5, v4;
	v3 =	vld [tilespmem:s17+$0x3710]  }
0xb0: {  	v5 =	vadd.s32 v16, v10;
	v6 =	vadd.s32 v6, v4;
	v4 =	vld [tilespmem:s17+$0x3C10]  }
0xb1: {  	v10 =	vadd.s32 v17, v5;
	v6 =	vadd.s32 v7, v6;
	v5 =	vld [tilespmem:s17+$0x4110]  }
0xb2: {  	v7 =	vadd.s32 v18, v10;
	v8 =	vadd.s32 v8, v6;
	v6 =	vld [tilespmem:s17+$0x4610]  }
0xb3: {  	s19 =	simm.s32 $0x20;
	s18 =	simm.s32 $0x0;
	[tilespmem:s16+$0xFFFFFFF0] =	vst v7;
	v8 =	vadd.s32 v9, v8;
	v7 =	vld [tilespmem:s17+$0x4B10];
	s17 =	simm.s32 $0x8020  }
.LBB2_8:
0xb4: {  	v9 =	vld [tilespmem:s17+$0x0];
	s20 =	sand.u32 $0x7E0, s19;
	s18 =	sadd.s32 $0x2, s18;
	v3 =	vadd.s32 v3, v8  }
0xb5: {  	v8 =	vld [tilespmem:s20+$0x8500];
	p0 =	slt.u32 s18, $0x4E;
	v3 =	vadd.s32 v4, v3  }
0xb6: {  	v4 =	vld [tilespmem:s20+$0x8A00];
	v3 =	vadd.s32 v5, v3  }
0xb7: {  	v5 =	vld [tilespmem:s20+$0x8F00];
	v3 =	vadd.s32 v6, v3  }
0xb8: {  	v6 =	vld [tilespmem:s20+$0x9400];
	v3 =	vadd.s32 v7, v3  }
0xb9: {  	v7 =	vld [tilespmem:s20+$0x9900];
	[tilespmem:s16+$0x0] =	vst v3  }
0xba: {  	v3 =	vadd.s32 v9, v8;
	v8 =	vld [tilespmem:s20+$0x9E00]  }
0xbb: {  	v3 =	vadd.s32 v4, v3;
	v4 =	vld [tilespmem:s20+$0xA300]  }
0xbc: {  	v3 =	vadd.s32 v5, v3;
	v5 =	vld [tilespmem:s20+$0xA800]  }
0xbd: {  	v3 =	vadd.s32 v6, v3;
	v6 =	vld [tilespmem:s20+$0xAD00]  }
0xbe: {  	v3 =	vadd.s32 v7, v3;
	v7 =	vld [tilespmem:s20+$0xB200]  }
0xbf: {  	v3 =	vadd.s32 v8, v3;
	v8 =	vld [tilespmem:s20+$0xB700]  }
0xc0: {  	v3 =	vadd.s32 v4, v3;
	v4 =	vld [tilespmem:s20+$0xBC00]  }
0xc1: {  	v3 =	vadd.s32 v5, v3;
	v5 =	vld [tilespmem:s20+$0xC100]  }
0xc2: {  	v3 =	vadd.s32 v6, v3;
	v6 =	vld [tilespmem:s20+$0xC600]  }
0xc3: {  	v3 =	vadd.s32 v7, v3;
	v7 =	vld [tilespmem:s20+$0xCB00]  }
0xc4: {  	v3 =	vadd.s32 v8, v3;
	v8 =	vld [tilespmem:s17+$0x10]  }
0xc5: {  	v3 =	vadd.s32 v4, v3;
	v4 =	vld [tilespmem:s17+$0x510]  }
0xc6: {  	v3 =	vadd.s32 v5, v3;
	v5 =	vld [tilespmem:s17+$0xA10]  }
0xc7: {  	v3 =	vadd.s32 v6, v3;
	v6 =	vld [tilespmem:s17+$0xF10]  }
0xc8: {  	s16 =	sadd.s32 $0x20, s16;
	v3 =	vadd.s32 v7, v3;
	v7 =	vld [tilespmem:s17+$0x1410]  }
0xc9: {  	[tilespmem:s16+$0xFFFFFFF0] =	vst v3;
	v3 =	vld [tilespmem:s17+$0x1910]  }
0xca: {  	v4 =	vadd.s32 v8, v4;
	v8 =	vld [tilespmem:s17+$0x1E10]  }
0xcb: {  	v4 =	vadd.s32 v5, v4;
	v5 =	vld [tilespmem:s17+$0x2310]  }
0xcc: {  	v4 =	vadd.s32 v6, v4;
	v6 =	vld [tilespmem:s17+$0x2810]  }
0xcd: {  	v4 =	vadd.s32 v7, v4;
	v7 =	vld [tilespmem:s17+$0x2D10]  }
0xce: {  	v3 =	vadd.s32 v3, v4;
	v9 =	vld [tilespmem:s17+$0x3210]  }
.Ltmp3:
0xcf: {  	v4 =	vadd.s32 v8, v3;
	v3 =	vld [tilespmem:s17+$0x3710];
	(pc) =	sbr.rel @p0 .LBB2_8-.Ltmp3, $4  }
0xd0: {  	v5 =	vadd.s32 v5, v4;
	v4 =	vld [tilespmem:s17+$0x3C10]  }
0xd1: {  	v6 =	vadd.s32 v6, v5;
	v5 =	vld [tilespmem:s17+$0x4110]  }
0xd2: {  	v7 =	vadd.s32 v7, v6;
	v6 =	vld [tilespmem:s17+$0x4610]  }
0xd3: {  	s19 =	sadd.s32 $0x20, s19;
	v8 =	vadd.s32 v9, v7;
	v7 =	vld [tilespmem:s17+$0x4B10];
	s17 =	sadd.s32 $0x20, s17  }
0xd4: {  	v3 =	vadd.s32 v3, v8  }
0xd5: {  	v3 =	vadd.s32 v4, v3  }
0xd6: {  	v3 =	vadd.s32 v5, v3  }
0xd7: {  	s15 =	sadd.s32 $0x1, s15;
	v3 =	vadd.s32 v6, v3  }
0xd8: {  	p0 =	sne.s32 s15, s6;
	v3 =	vadd.s32 v7, v3  }
.Ltmp4:
0xd9: {  	[tilespmem:s16+$0x0] =	vst v3;
	(pc) =	sbr.rel @p0 .LBB2_1-.Ltmp4, $4  }
0xda: {  	[hbm4b:s5+s11] =	stream.strided.scatter [tilespmem:s13], [sflag:$0x3], $0x500, s12, s11, $0x38;
	[tilespmem:$0xD500] =	vst v63  }
0xdb: {  	_ =	swait.ge [sflag:s14], $0x500  }
0xdc: {  	[sflag:s14] =	ssyncset.done $0x0  }
0xdd: {  	[sflag:s14] =	ssyncadd.s32 $0xFFFFFB00  }
0xde: {  	_ =	sfence.sel $0x180000  }
0xdf: {  	[bflag:$0x0] =	sbarrier.arrive $0xFFFF  }
0xe0: {  	p0 =	sne.s32 s0, $0x0;
	_ =	strace $0x90000047  }
0xe1: {  	s0 =	sadd.s32 @!p0 $0x100000, s1;
	[bflag:$0x2] =	sbarrier.arrive $0xFFFF  }
0xe2: {  	[sflag:s0] =	ssyncadd.tile.s32 @!p0 $0x1;
	_ =	shalt  }
.Lfunc_end2:
_tile_overlayer_lowered:
.L_overlay_start_2:
0xe3: {  	(tag) =	ssettag $0x2  }
0xe4: {  	s0 =	rddreg [dreg:$0x0];
	s2 =	stileid.u32  }
0xe5: {  	s1 =	rddreg [dreg:$0x1];
	p0 =	sne.s32 s2, $0x0  }
0xe6: {  	s3 =	rddreg [dreg:$0x2];
	[bflag:$0x3] =	sbarrier.arrive $0xFFFF;
	s2 =	simm.s32 @!p0 $0x1C03  }
0xe7: {  	[timem:s3], [sflag:s2] =	dma.local @!p0 [hbm:s0], s1  }
0xe8: {  	s0 =	simm.s32 @!p0 $0x3  }
0xe9: {  	_ =	swait.ge @!p0 [sflag:s0], s1  }
0xea: {  	s1 =	ssub.s32 @!p0 $0x0, s1;
	[sflag:s0] =	ssyncset.done @!p0 $0x0  }
0xeb: {  	[sflag:s0] =	ssyncadd.s32 @!p0 s1  }
0xec: {  	[bflag:$0x3] =	sbarrier.arrive $0xFFFF  }
0xed: {  	_ =	shalt  }

// kernel: kernel.8.cloned.1.call-start
scs
__scs_entry_jumppad:
0x0: {  	(pc) =	sbr.rel $0x88, $3  }
0x1: {  	(tag) =	ssettag $0x0;
	lr =	simm.s32 $0x1  }
0x2: {  	[smem:$0x3F9F] =	sst lr;
	_ =	strace $0xD0000000  }
0x3: {  	_ = 	snop  }
0x4: {  	_ = 	snop  }
0x5: {  	_ = 	snop  }
0x6: {  	_ = 	snop  }
0x7: {  	_ = 	snop  }
__scs_overlays_trampoline_lowered:
0x8: {  	[smem:$0x3FAE] =	sst s0  }
0x9: {  	[smem:$0x3FAF] =	sst s1  }
0xa: {  	[smem:$0x3FB0] =	sst s2  }
0xb: {  	[smem:$0x3FB1] =	sst s3  }
0xc: {  	[smem:$0x3FB2] =	sst s4  }
0xd: {  	[smem:$0x3FB3] =	sst s5  }
0xe: {  	[smem:$0x3FB4] =	sst s6  }
0xf: {  	[smem:$0x3FB5] =	sst s7  }
0x10: {  	[smem:$0x3FB6] =	sst s8  }
0x11: {  	[smem:$0x3FB7] =	sst s9;
	s0 =	simm.s32 @!p0 $0x0  }
0x12: {  	s1 =	sld [smem:$0x3F9D];
	s0 =	simm.s32 @p0 $0x1  }
0x13: {  	[smem:$0x3FB8] =	sst s0;
	s0 =	simm.s32 @!p1 $0x0  }
0x14: {  	s2 =	sld [smem:$0x3F9C];
	s0 =	simm.s32 @p1 $0x1  }
0x15: {  	[smem:$0x3FB9] =	sst s0;
	s0 =	simm.s32 @!p2 $0x0  }
0x16: {  	s3 =	sld [smem:$0x3FDB];
	s0 =	simm.s32 @p2 $0x1  }
0x17: {  	s4 =	simm.s32 $0x1BF5;
	[smem:$0x3FBB] =	sst s0  }
0x18: {  	s0 =	sld [smem:$0x3F9E];
	_ =	swait.ge [sflag:s4], $0x0  }
0x19: {  	s7 =	sld [smem:$0x3F9F]  }
0x1a: {  	s8 =	sadd.s32 $0xFFFFE003, lr  }
0x1b: {  	s9 =	sadd.s32 $0xFFFFFEF7, lr;
	s5 =	simm.s32 $0xFFFFFFFF;
	p2 =	slt.u32 s8, $0xFFFFF086  }
0x1c: {  	p1 =	slt.u32 s9, $0xF7A;
	s5 =	simm.s32 @!p2 $0x0  }
0x1d: {  	s5 =	simm.s32 @p1 $0x1;
	p0 =	seq.s32 s7, s2  }
0x1e: {  	s7 =	smul.u32 @!p0 $0xF7A, s2;
	p2 =	seq.s32 @!p0 s5, $0x0  }
0x1f: {  	s9 =	smul.u32 $0xF7A, s1;
	s8 =	simm.s32 @!p0 $0x1BF5;
	p2 =	por !p2, p0  }
0x20: {  	[sflag:s8] =	ssyncset.s32 @!p0 $0xFFFFF086;
	s6 =	sadd.s32 @!p0 s3, s7;
	s7 =	simm.s32 @!p0 $0x108  }
0x21: {  	s3 =	sadd.s32 s3, s9;
	s6 =	sadd.s32 @!p0 $0x88, s6;
	s7 =	simm.s32 @p2 $0x1082  }
0x22: {  	[simem:s7], [sflag:s8] =	dma.local @!p0 [hbm:s6], $0xF7A  }
0x23: {  	s9 =	sor.u32 $0xD0000000, s2;
	s6 =	simm.s32 $0x108;
	_ =	swait.ge @!p0 [sflag:s8], $0x0  }
0x24: {  	s3 =	sadd.s32 $0x88, s3;
	s6 =	simm.s32 @!p1 $0x1082;
	[sflag:s4] =	ssyncset.s32 $0xFFFFF086  }
0x25: {  	[simem:s6], [sflag:s4] =	dma.local [hbm:s3], $0xF7A  }
0x26: {  	[smem:$0x3F9F] =	sst s1;
	(tag) =	ssettag s2;
	_ =	strace s9  }
0x27: {  	s1 =	sld [smem:$0x3FAF]  }
0x28: {  	s2 =	sld [smem:$0x3FB0]  }
0x29: {  	s4 =	sld [smem:$0x3FB2]  }
0x2a: {  	p0 =	seq.s32 s5, $0x0;
	s5 =	sld [smem:$0x3FB3]  }
0x2b: {  	s6 =	sld [smem:$0x3FB4]  }
0x2c: {  	s7 =	sld [smem:$0x3FB5]  }
0x2d: {  	s3 =	simm.s32 $0x108;
	s8 =	sld [smem:$0x3FB6]  }
0x2e: {  	s3 =	simm.s32 @!p0 $0x1082;
	s9 =	sld [smem:$0x3FB7]  }
0x2f: {  	lr =	sadd.s32 s0, s3;
	s0 =	sld [smem:$0x3FAE]  }
0x30: {  	s3 =	sld [smem:$0x3FB1]  }
0x31: {  	[smem:$0x3FBA] =	sst s10  }
0x32: {  	s10 =	sld [smem:$0x3FB8];
	_ =	sdelay $0x3  }
0x33: {  	p0 =	seq.s32 s10, $0x1;
	s10 =	sld [smem:$0x3FBA];
	_ =	sdelay $0x3  }
0x34: {  	[smem:$0x3FBA] =	sst s10  }
0x35: {  	s10 =	sld [smem:$0x3FB9];
	_ =	sdelay $0x3  }
0x36: {  	p1 =	seq.s32 s10, $0x1;
	s10 =	sld [smem:$0x3FBA];
	_ =	sdelay $0x3  }
0x37: {  	[smem:$0x3FBA] =	sst s10  }
0x38: {  	s10 =	sld [smem:$0x3FBB]  }
0x39: {  	_ = 	snop;
	(pc) =	sbr.ind lr, $3  }
0x3a: {  	_ = 	snop  }
0x3b: {  	_ = 	snop  }
0x3c: {  	p2 =	seq.s32 s10, $0x1;
	s10 =	sld [smem:$0x3FBA]  }
0x3d: {  	_ =	shalt  }
0x3e: {  	_ =	shalt  }
0x3f: {  	_ =	shalt  }
0x40: {  	_ =	shalt  }
0x41: {  	_ =	shalt  }
0x42: {  	_ =	shalt  }
0x43: {  	_ =	shalt  }
0x44: {  	_ =	shalt  }
0x45: {  	_ =	shalt  }
0x46: {  	_ =	shalt  }
0x47: {  	_ =	shalt  }
0x48: {  	_ =	shalt  }
0x49: {  	_ =	shalt  }
0x4a: {  	_ =	shalt  }
0x4b: {  	_ =	shalt  }
0x4c: {  	_ =	shalt  }
0x4d: {  	_ =	shalt  }
0x4e: {  	_ =	shalt  }
0x4f: {  	_ =	shalt  }
0x50: {  	_ =	shalt  }
0x51: {  	_ =	shalt  }
0x52: {  	_ =	shalt  }
0x53: {  	_ =	shalt  }
0x54: {  	_ =	shalt  }
0x55: {  	_ =	shalt  }
0x56: {  	_ =	shalt  }
0x57: {  	_ =	shalt  }
0x58: {  	_ =	shalt  }
0x59: {  	_ =	shalt  }
0x5a: {  	_ =	shalt  }
0x5b: {  	_ =	shalt  }
0x5c: {  	_ =	shalt  }
0x5d: {  	_ =	shalt  }
0x5e: {  	_ =	shalt  }
0x5f: {  	_ =	shalt  }
0x60: {  	_ =	shalt  }
0x61: {  	_ =	shalt  }
0x62: {  	_ =	shalt  }
0x63: {  	_ =	shalt  }
0x64: {  	_ =	shalt  }
0x65: {  	_ =	shalt  }
0x66: {  	_ =	shalt  }
0x67: {  	_ =	shalt  }
0x68: {  	_ =	shalt  }
0x69: {  	_ =	shalt  }
0x6a: {  	_ =	shalt  }
0x6b: {  	_ =	shalt  }
0x6c: {  	_ =	shalt  }
0x6d: {  	_ =	shalt  }
0x6e: {  	_ =	shalt  }
0x6f: {  	_ =	shalt  }
0x70: {  	_ =	shalt  }
0x71: {  	_ =	shalt  }
0x72: {  	_ =	shalt  }
0x73: {  	_ =	shalt  }
0x74: {  	_ =	shalt  }
0x75: {  	_ =	shalt  }
0x76: {  	_ =	shalt  }
0x77: {  	_ =	shalt  }
0x78: {  	_ =	shalt  }
0x79: {  	_ =	shalt  }
0x7a: {  	_ =	shalt  }
0x7b: {  	_ =	shalt  }
0x7c: {  	_ =	shalt  }
0x7d: {  	_ =	shalt  }
0x7e: {  	_ =	shalt  }
0x7f: {  	_ =	shalt  }
0x80: {  	_ =	shalt  }
0x81: {  	_ =	shalt  }
0x82: {  	_ =	shalt  }
0x83: {  	_ =	shalt  }
0x84: {  	_ =	shalt  }
0x85: {  	_ =	shalt  }
0x86: {  	_ =	shalt  }
0x87: {  	_ =	shalt  }
.Lfunc_end0:
.L_simem_size_0:
called_computation_lowered:
.L_overlay_start_0:
0x88: {  	s2 =	sld [smem:$0x3FD9]  }
0x89: {  	s3 =	sld [smem:$0x3FFE];
	_ =	sdelay $0x1  }
0x8a: {  	s1 =	srdreg.scid  }
0x8b: {  	s0 =	sand.u32 $0x1, s1  }
0x8c: {  	s17 =	sshll.u32 s0, $0xA;
	s2 =	sadd.s32 s3, s2  }
0x8d: {  	s2 =	sadd.s32 s2, s17  }
0x8e: {  	[smem:$0x3FC6] =	sst s2  }
0x8f: {  	_ = 	snop  }
0x90: {  	(tm) =	ssettm $0x1  }
0x91: {  	s18 =	sld [smem:$0x3FFB];
	_ =	sdelay $0x3  }
0x92: {  	_ =	strace s18  }
0x93: {  	s2 =	sld [smem:$0x3FFC];
	_ =	sdelay $0x3  }
0x94: {  	_ =	strace s2  }
0x95: {  	s2 =	sld [smem:$0x3FFD];
	_ =	sdelay $0x3  }
0x96: {  	_ =	strace s2  }
0x97: {  	_ =	strace $0x8FFFFFFF  }
0x98: {  	s19 =	sld [smem:$0x3FDB];
	_ =	sdelay $0x1  }
0x99: {  	s20 =	simm.s32 $_scs_section_size  }
0x9a: {  	s4 =	simm.s32 $_size__tile_overlayer_lowered;
	s5 =	simm.s32 $_tile_overlayer_lowered  }
0x9b: {  	s6 =	simm.s32 $0x1BFF;
	s21 =	sshll.u32 s5, $0x1;
	s3 =	sadd.s32 s20, s19  }
0x9c: {  	s22 =	simm.s32 $0x0;
	s4 =	sshll.u32 s4, $0x1;
	s5 =	sadd.s32 s21, s3  }
0x9d: {  	[timem:s22], [sflag:s6] =	dma.local [hbm:s5], s4  }
0x9e: {  	_ =	swait.ge [sflag:s6], s4  }
0x9f: {  	s4 =	ssub.s32 $0x0, s4;
	[sflag:s6] =	ssyncset.done $0x0  }
0xa0: {  	[sflag:s6] =	ssyncadd.s32 s4;
	_ =	sdelay $0x1  }
0xa1: {  	s23 =	simm.s32 $0x1B8B  }
0xa2: {  	_ =	swait.ge [sflag:s23], $0x1  }
0xa3: {  	[sflag:s23] =	ssyncset.done $0x0  }
0xa4: {  	[sflag:s23] =	ssyncadd.s32 $0xFFFFFFFF  }
0xa5: {  	s4 =	sld [smem:$0x0]  }
0xa6: {  	s5 =	sand.u32 $0xFFFFFFFE, s1  }
0xa7: {  	p0 =	sne.s32 s1, s5  }
0xa8: {  	s5 =	sshll.u32 @p0 s5, $0xE  }
0xa9: {  	s5 =	sadd.s32 @p0 $0x11B8D, s5;
	s6 =	sshll.u32 @p0 s4, $0x11  }
0xaa: {  	s5 =	sor.u32 @p0 s6, s5  }
0xab: {  	[sflag:s5] =	ssyncadd.remote.s32 @p0 $0x1;
	_ =	sdelay $0x1  }
0xac: {  	s5 =	simm.s32 @p0 $0x1B8D  }
0xad: {  	_ =	swait.eq @p0 [sflag:s5], $0x1  }
0xae: {  	[sflag:s5] =	ssyncadd.s32 @p0 $0xFFFFFFFF  }
0xaf: {  	s6 =	sshll.u32 @!p0 s1, $0xE  }
0xb0: {  	s6 =	sor.u32 @!p0 $0x4000, s6;
	s5 =	simm.s32 @!p0 $0x1B8D  }
0xb1: {  	s4 =	sshll.u32 @!p0 s4, $0x11;
	s6 =	sadd.s32 @!p0 $0x11B8D, s6;
	_ =	swait.eq @!p0 [sflag:s5], $0x1  }
0xb2: {  	s4 =	sor.u32 @!p0 s4, s6;
	[sflag:s5] =	ssyncadd.s32 @!p0 $0xFFFFFFFF  }
0xb3: {  	s25 =	simm.s32 $0x1B8E;
	s24 =	sld [smem:$0x3FFE];
	[sflag:s4] =	ssyncadd.remote.s32 @!p0 $0x1  }
0xb4: {  	s26 =	simm.s32 $execute0_lowered;
	[smem:$0x3FD2] =	sst s25  }
0xb5: {  	s5 =	sshll.u32 s26, $0x1;
	_ =	strace $0x80000049;
	[dreg:$0x1] =	wrdreg $0xFFFFFFFF  }
0xb6: {  	s28 =	simm.s32 $_size_execute0_lowered;
	s3 =	sadd.s32 s3, s5;
	[dreg:$0x0] =	wrdreg $0x0  }
0xb7: {  	s5 =	sshll.u32 s28, $0x1;
	[dreg:$0x2] =	wrdreg s3  }
0xb8: {  	[dreg:$0x3] =	wrdreg s5  }
0xb9: {  	[dreg:$0x4] =	wrdreg $0xC0  }
0xba: {  	_ =	task [dreg:s22], $0x5FFFF  }
0xbb: {  	[dreg:$0x1] =	wrdreg $0xFFFFFFFF  }
0xbc: {  	[dreg:$0x0] =	wrdreg $0x60  }
0xbd: {  	[dreg:$0x2] =	wrdreg s24  }
0xbe: {  	[dreg:$0x3] =	wrdreg $0x9  }
0xbf: {  	_ =	task.clear_ibuf [dreg:s22], $0x4FFFF;
	_ =	strace $0x90000049  }
0xc0: {  	s29 =	simm.s32 $0x9;
	_ =	strace $0x8000004B  }
0xc1: {  	_ =	swait.ge [sflag:s29], $0x1  }
0xc2: {  	[sflag:s29] =	ssyncadd.s32 $0xFFFFFFFF  }
0xc3: {  	_ =	strace $0x9000004B  }
0xc4: {  	_ =	sfence  }
0xc5: {  	s30 =	sld [smem:$0x0];
	_ =	sdelay $0x2  }
0xc6: {  	s31 =	sshll.u32 s1, $0xD;
	s1 =	sshrl.u32 s1, $0x2  }
0xc7: {  	s4 =	sand.u32 $0x4000, s31;
	s1 =	sadd.s32 s1, s30  }
0xc8: {  	s0 =	sor.u32 s4, s0;
	s1 =	sshll.u32 s1, $0x11  }
0xc9: {  	s0 =	sor.u32 s1, s0  }
0xca: {  	s0 =	sadd.s32 $0x8F2B, s0  }
0xcb: {  	[sflag:s0] =	ssyncadd.remote.s32 $0x1  }
0xcc: {  	_ =	sfence.sel $0xFFFF  }
0xcd: {  	[dreg:$0x0] =	wrdreg $0xFFFFFFFF;
	(pc) =	sbr.abs _section_cstart, $3  }
0xce: {  	[dreg:$0x1] =	wrdreg $0xFFFFFFFF  }
0xcf: {  	_ =	task.clear_ibuf [dreg:s22], $0x2FFFF;
	_ =	strace $0x9FFFFFFF  }
0xd0: {  	(tm) =	ssettm $0x7FFFFFFF  }
0xd1: {  	_ =	shalt  }
tec
execute0_lowered:
.L_overlay_start_1:
0x0: {  	(tag) =	ssettag $0x1  }
0x1: {  	s3 =	rddreg [dreg:$0x0];
	s2 =	srdreg.scid  }
0x2: {  	s1 =	stileid.u32;
	s0 =	rddreg [dreg:$0x1];
	s8 =	simm.s32 $0x1  }
0x3: {  	s9 =	simm.s32 $0x8000;
	s10 =	simm.s32 $0x2;
	s11 =	simm.s32 $0x80  }
0x4: {  	s12 =	simm.s32 $0x400;
	s13 =	simm.s32 $0xD000;
	s14 =	simm.s32 $0x3  }
0x5: {  	s15 =	simm.s32 $0x0;
	s4 =	sand.u32 $0x1, s2;
	s5 =	sshll.u32 s1, $0x1  }
0x6: {  	s2 =	simm.s32 $0x0;
	s6 =	sshrl.u32 s1, $0x2;
	s5 =	sor.u32 s4, s5  }
0x7: {  	[smem:$0x7FF] =	sst s2;
	s6 =	smul.u32 $0x2800, s6;
	s7 =	sshll.u32 s5, $0x7  }
0x8: {  	s4 =	ssub.s32 $0x2, s4;
	_ =	strace $0x8000004A;
	s7 =	sand.u32 $0x380, s7  }
0x9: {  	s5 =	sshll.u32 s5, $0xC;
	s31 =	sshrl.u32 s4, $0x1;
	s6 =	sor.u32 s6, s7  }
0xa: {  	s5 =	sadd.s32 s5, s3;
	s7 =	ssub.s32 s4, s31;
	s6 =	sshrl.u32 s6, $0x3  }
0xb: {  	v1 =	vlaneseq.u32;
	s4 =	sadd.s32 $0x21C00, s5;
	s6 =	sadd.s32 s6, s3;
	s3 =	sadd.s32 $0x21400, s5  }
0xc: {  	v0 =	vimm.s32 $0x0;
	v2 =	vimm.s32 $0x1;
	v1 =	vmul.u32 $0x500, v1;
	s5 =	sadd.s32 $0x41400, s6;
	s6 =	smax.u32 s7, $0x1;
	s7 =	simm.s32 $0x4000  }
.LBB2_1:
0xd: {  	[tilespmem:s2], [sflag:$0x1] =	stream.linear.gather [hbm4b:s3+s2], $0x4000, $0x38;
	[tilespmem:$0xD500] =	vst v63  }
0xe: {  	s16 =	simm.s32 $0x8040  }
0xf: {  	[tilespmem:s7], [sflag:$0x2] =	stream.linear.gather [hbm4b:s4+s2], $0x4000, $0x38;
	[tilespmem:$0xD500] =	vst v63  }
0x10: {  	[tilespmem:s16+$0xFFFFFFC0] =	vst v0  }
0x11: {  	[tilespmem:s16+$0x30] =	vst v0  }
0x12: {  	[tilespmem:s16+$0x20] =	vst v0  }
0x13: {  	[tilespmem:s16+$0x10] =	vst v0  }
0x14: {  	[tilespmem:s16+$0x0] =	vst v0  }
0x15: {  	[tilespmem:s16+$0xFFFFFFF0] =	vst v0  }
0x16: {  	s17 =	simm.s32 $0x0;
	[tilespmem:s16+$0xFFFFFFE0] =	vst v0  }
.LBB2_2:
0x17: {  	s17 =	sadd.s32 $0x8, s17;
	[tilespmem:s16+$0xFFFFFFD0] =	vst v0;
	s16 =	sadd.s32 $0x80, s16  }
0x18: {  	[tilespmem:s16+$0xFFFFFFC0] =	vst v0;
	p0 =	slt.u32 s17, $0x4F8  }
0x19: {  	[tilespmem:s16+$0x30] =	vst v0  }
.Ltmp0:
0x1a: {  	[tilespmem:s16+$0x20] =	vst v0;
	(pc) =	sbr.rel @p0 .LBB2_2-.Ltmp0, $4  }
0x1b: {  	[tilespmem:s16+$0x10] =	vst v0  }
0x1c: {  	[tilespmem:s16+$0x0] =	vst v0  }
0x1d: {  	[tilespmem:s16+$0xFFFFFFF0] =	vst v0  }
0x1e: {  	[tilespmem:s16+$0xFFFFFFE0] =	vst v0  }
0x1f: {  	[tilespmem:s16+$0xFFFFFFD0] =	vst v0  }
0x20: {  	_ =	swait.ge [sflag:s8], $0x4000  }
0x21: {  	[sflag:s8] =	ssyncset.done $0x0  }
0x22: {  	s31 =	simm.s32 $0x40;
	[sflag:s8] =	ssyncadd.s32 $0xFFFFC000  }
0x23: {  	v3 =	vld [tilespmem:s31+$0x30]  }
0x24: {  	v4 =	vld [tilespmem:s31+$0xFFFFFFD0]  }
0x25: {  	v7 =	vld [tilespmem:s31+$0x0]  }
0x26: {  	v5 =	vld [tilespmem:s31+$0x10]  }
0x27: {  	v6 =	vld [tilespmem:s31+$0xFFFFFFF0];
	_ =	sdelay $0x1  }
0x28: {  	v8 =	vshrl.u32 v3, $0x10;
	v3 =	vand.u32 $0xFFFF, v3  }
0x29: {  	v13 =	vand.u32 $0xFFFF, v4;
	v10 =	vshrl.u32 v7, $0x10;
	v9 =	vadd.s32 v1, v8  }
0x2a: {  	v8 =	vand.u32 $0x7F, v8;
	v3 =	vadd.s32 v1, v3;
	v9 =	vand.u32 $0x1FF80, v9  }
0x2b: {  	v12 =	vld [tilespmem:s31+$0xFFFFFFE0];
	v14 =	vshrl.u32 v6, $0x10;
	v8 =	vor.u32 v8, v9;
	v9 =	vand.u32 $0xFFFF, v5  }
0x2c: {  	v6 =	vand.u32 $0xFFFF, v6;
	v7 =	vand.u32 $0xFFFF, v7;
	v9 =	vadd.s32 v1, v9  }
0x2d: {  	v15 =	vand.u32 $0x7F, v14;
	v16 =	vand.u32 $0x7F, v10;
	v5 =	vshrl.u32 v5, $0x10  }
0x2e: {  	v17 =	vadd.s32 v1, v10;
	v11 =	vand.u32 $0x7F, v5;
	v5 =	vadd.s32 v1, v5  }
0x2f: {  	v18 =	vadd.s32 v1, v6;
	v5 =	vand.u32 $0x1FF80, v5;
	[tilespmem:v3+s9+$0x0] =	vst.idx.add.s32.msk $0xffff, v2;
	v3 =	vshrl.u32 v4, $0x10  }
0x30: {  	v4 =	vor.u32 v11, v5;
	v5 =	vshrl.u32 v12, $0x10;
	v10 =	vadd.s32 v1, v3;
	[tilespmem:v8+s9+$0x0] =	vst.idx.add.s32.msk $0xffff, v2  }
0x31: {  	v3 =	vand.u32 $0x7F, v3;
	v6 =	vand.u32 $0x1FF80, v10;
	[tilespmem:v9+s9+$0x0] =	vst.idx.add.s32.msk $0xffff, v2;
	v9 =	vadd.s32 v1, v5  }
0x32: {  	v8 =	vadd.s32 v1, v14;
	v10 =	vld [tilespmem:s31+$0xFFFFFFC0];
	v62 =	vand.u32 $0x1FF80, v9;
	v9 =	vadd.s32 v1, v7  }
0x33: {  	v11 =	vld [tilespmem:s31+$0x20];
	v3 =	vor.u32 v3, v6;
	v5 =	vand.u32 $0x7F, v5;
	v6 =	vand.u32 $0x1FF80, v17  }
0x34: {  	[tilespmem:v18+s9+$0x0] =	vst.idx.add.s32.msk $0xffff, v2;
	v63 =	vand.u32 $0x1FF80, v8;
	v7 =	vadd.s32 v1, v13;
	v6 =	vor.u32 v16, v6  }
0x35: {  	s16 =	simm.s32 $0x0;
	s17 =	simm.s32 $0xC0;
	v8 =	vand.u32 $0xFFFF, v12;
	[tilespmem:v4+s9+$0x0] =	vst.idx.add.s32.msk $0xffff, v2;
	v4 =	vor.u32 v5, v62;
	v5 =	vor.u32 v15, v63  }
.LBB2_4:
0x36: {  	v12 =	vld [tilespmem:s17+$0xFFFFFFD0];
	s16 =	sadd.s32 $0x8, s16  }
0x37: {  	v8 =	vadd.s32 v1, v8;
	p0 =	slt.u32 s16, $0x3F8;
	v13 =	vshrl.u32 v10, $0x10;
	v10 =	vand.u32 $0xFFFF, v10;
	[tilespmem:v9+s9+$0x0] =	vst.idx.add.s32.msk $0xffff, v2  }
0x38: {  	v9 =	vld [tilespmem:s17+$0x30];
	v14 =	vand.u32 $0x7F, v13;
	v15 =	vshrl.u32 v11, $0x10;
	v11 =	vand.u32 $0xFFFF, v11  }
0x39: {  	v10 =	vadd.s32 v1, v10;
	v16 =	vld [tilespmem:s17+$0xFFFFFFE0];
	v11 =	vadd.s32 v1, v11;
	v17 =	vadd.s32 v1, v15  }
0x3a: {  	v13 =	vadd.s32 v1, v13;
	v15 =	vand.u32 $0x7F, v15;
	v18 =	vld [tilespmem:s17+$0xFFFFFFF0];
	v17 =	vand.u32 $0x1FF80, v17  }
0x3b: {  	v13 =	vand.u32 $0x1FF80, v13;
	v19 =	vld [tilespmem:s17+$0x0];
	v15 =	vor.u32 v15, v17  }
0x3c: {  	v13 =	vor.u32 v14, v13;
	v17 =	vld [tilespmem:s17+$0x10]  }
0x3d: {  	v14 =	vshrl.u32 v9, $0x10;
	v9 =	vand.u32 $0xFFFF, v9;
	[tilespmem:v7+s9+$0x0] =	vst.idx.add.s32.msk $0xffff, v2  }
0x3e: {  	v7 =	vadd.s32 v1, v14;
	[tilespmem:v10+s9+$0x0] =	vst.idx.add.s32.msk $0xffff, v2  }
0x3f: {  	v9 =	vadd.s32 v1, v9;
	v10 =	vand.u32 $0x7F, v14;
	v7 =	vand.u32 $0x1FF80, v7;
	[tilespmem:v8+s9+$0x0] =	vst.idx.add.s32.msk $0xffff, v2  }
0x40: {  	v7 =	vor.u32 v10, v7;
	[tilespmem:v6+s9+$0x0] =	vst.idx.add.s32.msk $0xffff, v2  }
0x41: {  	[tilespmem:v11+s9+$0x0] =	vst.idx.add.s32.msk $0xffff, v2  }
0x42: {  	v6 =	vand.u32 $0xFFFF, v12;
	v8 =	vshrl.u32 v17, $0x10;
	v10 =	vand.u32 $0xFFFF, v17;
	[tilespmem:v13+s9+$0x0] =	vst.idx.add.s32.msk $0xffff, v2  }
0x43: {  	v11 =	vshrl.u32 v19, $0x10;
	v10 =	vadd.s32 v1, v10;
	v13 =	vand.u32 $0x7F, v8;
	[tilespmem:v15+s9+$0x0] =	vst.idx.add.s32.msk $0xffff, v2  }
0x44: {  	v14 =	vshrl.u32 v18, $0x10;
	v17 =	vand.u32 $0xFFFF, v19;
	v15 =	vand.u32 $0xFFFF, v18;
	[tilespmem:v5+s9+$0x0] =	vst.idx.add.s32.msk $0xffff, v2  }
0x45: {  	v8 =	vadd.s32 v1, v8;
	v18 =	vand.u32 $0x7F, v11;
	v5 =	vand.u32 $0x7F, v14;
	[tilespmem:v9+s9+$0x0] =	vst.idx.add.s32.msk $0xffff, v2  }
0x46: {  	v19 =	vshrl.u32 v16, $0x10;
	v11 =	vadd.s32 v1, v11;
	v9 =	vand.u32 $0x1FF80, v8;
	[tilespmem:v4+s9+$0x0] =	vst.idx.add.s32.msk $0xffff, v2  }
0x47: {  	v8 =	vand.u32 $0xFFFF, v16;
	v4 =	vshrl.u32 v12, $0x10;
	v12 =	vor.u32 v13, v9;
	[tilespmem:v3+s9+$0x0] =	vst.idx.add.s32.msk $0xffff, v2  }
0x48: {  	v13 =	vadd.s32 v1, v15;
	v3 =	vadd.s32 v1, v4;
	v4 =	vand.u32 $0x7F, v4;
	[tilespmem:v10+s9+$0x0] =	vst.idx.add.s32.msk $0xffff, v2  }
.Ltmp1:
0x49: {  	v14 =	vadd.s32 v1, v14;
	v9 =	vadd.s32 v1, v19;
	v3 =	vand.u32 $0x1FF80, v3;
	[tilespmem:v7+s9+$0x0] =	vst.idx.add.s32.msk $0xffff, v2;
	(pc) =	sbr.rel @p0 .LBB2_4-.Ltmp1, $4  }
0x4a: {  	v3 =	vor.u32 v4, v3;
	v4 =	vand.u32 $0x1FF80, v9;
	v9 =	vadd.s32 v1, v17;
	v10 =	vld [tilespmem:s17+$0xFFFFFFC0]  }
0x4b: {  	v14 =	vand.u32 $0x1FF80, v14;
	v16 =	vand.u32 $0x1FF80, v11;
	v15 =	vand.u32 $0x7F, v19;
	v11 =	vld [tilespmem:s17+$0x20]  }
0x4c: {  	v7 =	vadd.s32 v1, v6;
	v6 =	vor.u32 v18, v16;
	[tilespmem:v12+s9+$0x0] =	vst.idx.add.s32.msk $0xffff, v2  }
0x4d: {  	v5 =	vor.u32 v5, v14;
	v4 =	vor.u32 v15, v4;
	s17 =	sadd.s32 $0x80, s17;
	[tilespmem:v13+s9+$0x0] =	vst.idx.add.s32.msk $0xffff, v2  }
0x4e: {  	_ =	sdelay $0x3  }
0x4f: {  	v8 =	vadd.s32 v1, v8;
	[tilespmem:v9+s9+$0x0] =	vst.idx.add.s32.msk $0xffff, v2;
	v12 =	vand.u32 $0xFFFF, v10;
	v10 =	vshrl.u32 v10, $0x10  }
0x50: {  	[tilespmem:v7+s9+$0x0] =	vst.idx.add.s32.msk $0xffff, v2;
	v12 =	vadd.s32 v1, v12;
	v13 =	vand.u32 $0x7F, v10  }
0x51: {  	[tilespmem:v5+s9+$0x0] =	vst.idx.add.s32.msk $0xffff, v2;
	v14 =	vshrl.u32 v11, $0x10;
	v11 =	vand.u32 $0xFFFF, v11;
	v10 =	vadd.s32 v1, v10  }
0x52: {  	[tilespmem:v6+s9+$0x0] =	vst.idx.add.s32.msk $0xffff, v2;
	v9 =	vadd.s32 v1, v11;
	v11 =	vadd.s32 v1, v14;
	v10 =	vand.u32 $0x1FF80, v10  }
0x53: {  	[tilespmem:v3+s9+$0x0] =	vst.idx.add.s32.msk $0xffff, v2;
	v14 =	vand.u32 $0x7F, v14;
	v11 =	vand.u32 $0x1FF80, v11;
	v10 =	vor.u32 v13, v10  }
0x54: {  	v7 =	vor.u32 v14, v11;
	[tilespmem:v8+s9+$0x0] =	vst.idx.add.s32.msk $0xffff, v2  }
0x55: {  	[tilespmem:v4+s9+$0x0] =	vst.idx.add.s32.msk $0xffff, v2  }
0x56: {  	[tilespmem:v12+s9+$0x0] =	vst.idx.add.s32.msk $0xffff, v2  }
0x57: {  	[tilespmem:v9+s9+$0x0] =	vst.idx.add.s32.msk $0xffff, v2  }
0x58: {  	[tilespmem:v10+s9+$0x0] =	vst.idx.add.s32.msk $0xffff, v2  }
0x59: {  	[tilespmem:v7+s9+$0x0] =	vst.idx.add.s32.msk $0xffff, v2  }
0x5a: {  	_ =	swait.ge [sflag:s10], $0x4000  }
0x5b: {  	[sflag:s10] =	ssyncset.done $0x0  }
0x5c: {  	s16 =	simm.s32 $0x4040;
	[sflag:s10] =	ssyncadd.s32 $0xFFFFC000  }
0x5d: {  	v3 =	vld [tilespmem:s16+$0x30];
	_ =	sdelay $0x2  }
0x5e: {  	v4 =	vld [tilespmem:s16+$0xFFFFFFF0]  }
0x5f: {  	v5 =	vld [tilespmem:s16+$0x0]  }
0x60: {  	v7 =	vld [tilespmem:s16+$0xFFFFFFE0];
	v6 =	vshrl.u32 v3, $0x10  }
0x61: {  	v3 =	vand.u32 $0xFFFF, v3;
	v8 =	vadd.s32 v1, v6  }
0x62: {  	v9 =	vld [tilespmem:s16+$0xFFFFFFD0];
	v3 =	vadd.s32 v1, v3;
	v6 =	vand.u32 $0x7F, v6;
	v8 =	vand.u32 $0x1FF80, v8  }
0x63: {  	v6 =	vor.u32 v6, v8;
	v8 =	vand.u32 $0xFFFF, v4  }
0x64: {  	v11 =	vadd.s32 v1, v8  }
0x65: {  	v12 =	vshrl.u32 v5, $0x10;
	v8 =	vshrl.u32 v7, $0x10;
	v7 =	vand.u32 $0xFFFF, v7  }
0x66: {  	s17 =	simm.s32 $0x8000;
	v10 =	vld [tilespmem:s16+$0xFFFFFFC0];
	v13 =	vshrl.u32 v4, $0x10;
	v5 =	vand.u32 $0xFFFF, v5;
	v14 =	vadd.s32 v1, v7  }
0x67: {  	v4 =	vand.u32 $0xFFFF, v9;
	v9 =	vshrl.u32 v9, $0x10;
	v7 =	vadd.s32 v1, v8;
	[tilespmem:v3+s17+$0x0] =	vst.idx.add.s32.msk $0xffff, v2  }
0x68: {  	[tilespmem:v6+s17+$0x0] =	vst.idx.add.s32.msk $0xffff, v2;
	v6 =	vand.u32 $0x7F, v8;
	v8 =	vadd.s32 v1, v4;
	v4 =	vadd.s32 v1, v9  }
0x69: {  	v15 =	vand.u32 $0x1FF80, v7;
	v9 =	vand.u32 $0x7F, v9;
	v7 =	vand.u32 $0x1FF80, v4;
	[tilespmem:v11+s17+$0x0] =	vst.idx.add.s32.msk $0xffff, v2  }
0x6a: {  	v3 =	vadd.s32 v1, v12;
	v11 =	vld [tilespmem:s16+$0x20];
	v7 =	vor.u32 v9, v7;
	v9 =	vadd.s32 v1, v13  }
0x6b: {  	v4 =	vand.u32 $0x7F, v12;
	[tilespmem:v14+s17+$0x0] =	vst.idx.add.s32.msk $0xffff, v2;
	v13 =	vand.u32 $0x7F, v13;
	v12 =	vand.u32 $0x1FF80, v9  }
0x6c: {  	s18 =	simm.s32 $0x0;
	s19 =	simm.s32 $0x40C0;
	v6 =	vor.u32 v6, v15;
	v9 =	vadd.s32 v1, v5;
	v5 =	vor.u32 v13, v12;
	v12 =	vld [tilespmem:s16+$0x10]  }
.LBB2_6:
0x6d: {  	v13 =	vld [tilespmem:s19+$0xFFFFFFD0];
	s18 =	sadd.s32 $0x8, s18;
	v14 =	vshrl.u32 v10, $0x10;
	v10 =	vand.u32 $0xFFFF, v10;
	s16 =	simm.s32 $0xD010  }
0x6e: {  	v15 =	vld [tilespmem:s19+$0x0];
	p0 =	slt.u32 s18, $0x3F8;
	v10 =	vadd.s32 v1, v10;
	v16 =	vadd.s32 v1, v14  }
0x6f: {  	v14 =	vand.u32 $0x7F, v14;
	v17 =	vld [tilespmem:s19+$0x30];
	v16 =	vand.u32 $0x1FF80, v16;
	v18 =	vshrl.u32 v11, $0x10  }
0x70: {  	v14 =	vor.u32 v14, v16;
	[tilespmem:v8+s17+$0x0] =	vst.idx.add.s32.msk $0xffff, v2;
	v8 =	vand.u32 $0xFFFF, v11;
	v11 =	vand.u32 $0x7F, v18  }
0x71: {  	v16 =	vadd.s32 v1, v18;
	[tilespmem:v9+s17+$0x0] =	vst.idx.add.s32.msk $0xffff, v2;
	v9 =	vshrl.u32 v12, $0x10;
	v12 =	vand.u32 $0xFFFF, v12  }
0x72: {  	v8 =	vadd.s32 v1, v8;
	v16 =	vand.u32 $0x1FF80, v16;
	v18 =	vld [tilespmem:s19+$0xFFFFFFE0];
	v12 =	vadd.s32 v1, v12  }
0x73: {  	v20 =	vadd.s32 v1, v9;
	v9 =	vand.u32 $0x7F, v9;
	v11 =	vor.u32 v11, v16;
	v19 =	vld [tilespmem:s19+$0xFFFFFFF0]  }
0x74: {  	v16 =	vshrl.u32 v17, $0x10;
	v17 =	vand.u32 $0xFFFF, v17;
	[tilespmem:v7+s17+$0x0] =	vst.idx.add.s32.msk $0xffff, v2;
	v7 =	vand.u32 $0x1FF80, v20  }
0x75: {  	v3 =	vand.u32 $0x1FF80, v3;
	v20 =	vadd.s32 v1, v16;
	[tilespmem:v10+s17+$0x0] =	vst.idx.add.s32.msk $0xffff, v2;
	v7 =	vor.u32 v9, v7  }
0x76: {  	v4 =	vor.u32 v4, v3;
	[tilespmem:v14+s17+$0x0] =	vst.idx.add.s32.msk $0xffff, v2  }
0x77: {  	v9 =	vadd.s32 v1, v17;
	v10 =	vand.u32 $0x7F, v16;
	v3 =	vand.u32 $0x1FF80, v20;
	[tilespmem:v8+s17+$0x0] =	vst.idx.add.s32.msk $0xffff, v2  }
0x78: {  	v10 =	vor.u32 v10, v3;
	[tilespmem:v11+s17+$0x0] =	vst.idx.add.s32.msk $0xffff, v2  }
0x79: {  	[tilespmem:v12+s17+$0x0] =	vst.idx.add.s32.msk $0xffff, v2  }
0x7a: {  	[tilespmem:v6+s17+$0x0] =	vst.idx.add.s32.msk $0xffff, v2  }
0x7b: {  	v3 =	vand.u32 $0xFFFF, v19;
	v6 =	vshrl.u32 v15, $0x10;
	[tilespmem:v7+s17+$0x0] =	vst.idx.add.s32.msk $0xffff, v2  }
0x7c: {  	v12 =	vshrl.u32 v19, $0x10;
	v11 =	vadd.s32 v1, v3;
	v7 =	vshrl.u32 v18, $0x10;
	[tilespmem:v5+s17+$0x0] =	vst.idx.add.s32.msk $0xffff, v2  }
0x7d: {  	v8 =	vand.u32 $0xFFFF, v18;
	v3 =	vadd.s32 v1, v6;
	v5 =	vand.u32 $0xFFFF, v13;
	[tilespmem:v4+s17+$0x0] =	vst.idx.add.s32.msk $0xffff, v2  }
0x7e: {  	v14 =	vadd.s32 v1, v8;
	v16 =	vand.u32 $0x7F, v7;
	v4 =	vadd.s32 v1, v7;
	[tilespmem:v9+s17+$0x0] =	vst.idx.add.s32.msk $0xffff, v2  }
0x7f: {  	v7 =	vshrl.u32 v13, $0x10;
	v8 =	vadd.s32 v1, v5;
	[tilespmem:v10+s17+$0x0] =	vst.idx.add.s32.msk $0xffff, v2  }
.Ltmp2:
0x80: {  	v5 =	vadd.s32 v1, v7;
	v13 =	vand.u32 $0x1FF80, v4;
	v4 =	vand.u32 $0x7F, v6;
	v10 =	vld [tilespmem:s19+$0xFFFFFFC0];
	(pc) =	sbr.rel @p0 .LBB2_6-.Ltmp2, $4  }
0x81: {  	v6 =	vand.u32 $0x7F, v7;
	v9 =	vand.u32 $0xFFFF, v15;
	v5 =	vand.u32 $0x1FF80, v5;
	[tilespmem:v11+s17+$0x0] =	vst.idx.add.s32.msk $0xffff, v2  }
0x82: {  	v9 =	vadd.s32 v1, v9;
	v7 =	vor.u32 v6, v5;
	v5 =	vadd.s32 v1, v12;
	v11 =	vld [tilespmem:s19+$0x20]  }
0x83: {  	v6 =	vor.u32 v16, v13;
	v12 =	vand.u32 $0x7F, v12;
	v5 =	vand.u32 $0x1FF80, v5;
	[tilespmem:v14+s17+$0x0] =	vst.idx.add.s32.msk $0xffff, v2  }
0x84: {  	s20 =	simm.s32 $0x0;
	v5 =	vor.u32 v12, v5;
	v12 =	vld [tilespmem:s19+$0x10];
	s19 =	sadd.s32 $0x80, s19  }
0x85: {  	_ =	sdelay $0x1  }
0x86: {  	v13 =	vshrl.u32 v10, $0x10;
	v10 =	vand.u32 $0xFFFF, v10  }
0x87: {  	v3 =	vand.u32 $0x1FF80, v3;
	v10 =	vadd.s32 v1, v10  }
0x88: {  	[tilespmem:v8+s17+$0x0] =	vst.idx.add.s32.msk $0xffff, v2;
	v14 =	vadd.s32 v1, v13;
	v13 =	vand.u32 $0x7F, v13;
	v3 =	vor.u32 v4, v3  }
0x89: {  	[tilespmem:v9+s17+$0x0] =	vst.idx.add.s32.msk $0xffff, v2;
	v14 =	vand.u32 $0x1FF80, v14;
	v15 =	vshrl.u32 v11, $0x10;
	v11 =	vand.u32 $0xFFFF, v11  }
0x8a: {  	[tilespmem:v6+s17+$0x0] =	vst.idx.add.s32.msk $0xffff, v2;
	v13 =	vor.u32 v13, v14;
	v59 =	vadd.s32 v1, v15;
	v8 =	vand.u32 $0x7F, v15  }
0x8b: {  	[tilespmem:v5+s17+$0x0] =	vst.idx.add.s32.msk $0xffff, v2;
	v11 =	vadd.s32 v1, v11;
	v14 =	vand.u32 $0x1FF80, v59;
	v9 =	vshrl.u32 v12, $0x10  }
0x8c: {  	[tilespmem:v7+s17+$0x0] =	vst.idx.add.s32.msk $0xffff, v2;
	v60 =	vand.u32 $0xFFFF, v12;
	v8 =	vor.u32 v8, v14;
	v61 =	vadd.s32 v1, v9  }
0x8d: {  	v12 =	vadd.s32 v1, v60;
	v7 =	vand.u32 $0x7F, v9;
	v9 =	vand.u32 $0x1FF80, v61;
	[tilespmem:v10+s17+$0x0] =	vst.idx.add.s32.msk $0xffff, v2  }
0x8e: {  	[tilespmem:v3+s17+$0x0] =	vst.idx.add.s32.msk $0xffff, v2;
	v7 =	vor.u32 v7, v9  }
0x8f: {  	[tilespmem:v13+s17+$0x0] =	vst.idx.add.s32.msk $0xffff, v2  }
0x90: {  	[tilespmem:v11+s17+$0x0] =	vst.idx.add.s32.msk $0xffff, v2  }
0x91: {  	[tilespmem:v8+s17+$0x0] =	vst.idx.add.s32.msk $0xffff, v2  }
0x92: {  	[tilespmem:v12+s17+$0x0] =	vst.idx.add.s32.msk $0xffff, v2  }
0x93: {  	[tilespmem:v7+s17+$0x0] =	vst.idx.add.s32.msk $0xffff, v2  }
0x94: {  	s18 =	sand.u32 $0x7E0, s20;
	v3 =	vld [tilespmem:s17+$0x0]  }
0x95: {  	v4 =	vld [tilespmem:s18+$0x8500]  }
0x96: {  	v5 =	vld [tilespmem:s18+$0x8A00]  }
0x97: {  	v6 =	vld [tilespmem:s18+$0x8F00]  }
0x98: {  	v7 =	vld [tilespmem:s18+$0x9400]  }
0x99: {  	v8 =	vld [tilespmem:s18+$0x9900]  }
0x9a: {  	v9 =	vld [tilespmem:s18+$0x9E00]  }
0x9b: {  	v10 =	vld [tilespmem:s18+$0xA300]  }
0x9c: {  	v11 =	vld [tilespmem:s18+$0xA800]  }
0x9d: {  	v12 =	vld [tilespmem:s18+$0xAD00]  }
0x9e: {  	v13 =	vld [tilespmem:s18+$0xB200]  }
0x9f: {  	v62 =	vld [tilespmem:s18+$0xB700]  }
0xa0: {  	v63 =	vld [tilespmem:s18+$0xBC00]  }
0xa1: {  	v16 =	vld [tilespmem:s18+$0xC100]  }
0xa2: {  	v17 =	vld [tilespmem:s18+$0xC600]  }
0xa3: {  	v18 =	vld [tilespmem:s18+$0xCB00]  }
0xa4: {  	v3 =	vadd.s32 v3, v4;
	v4 =	vld [tilespmem:s17+$0x10]  }
0xa5: {  	v3 =	vadd.s32 v5, v3;
	v5 =	vld [tilespmem:s17+$0x510]  }
0xa6: {  	v3 =	vadd.s32 v6, v3;
	v6 =	vld [tilespmem:s17+$0xA10]  }
0xa7: {  	v3 =	vadd.s32 v7, v3;
	v7 =	vld [tilespmem:s17+$0xF10]  }
0xa8: {  	v3 =	vadd.s32 v8, v3;
	v8 =	vld [tilespmem:s17+$0x1410]  }
0xa9: {  	v3 =	vadd.s32 v9, v3;
	v9 =	vld [tilespmem:s17+$0x1910]  }
0xaa: {  	v3 =	vadd.s32 v10, v3;
	v4 =	vadd.s32 v4, v5;
	v5 =	vld [tilespmem:s17+$0x1E10]  }
0xab: {  	v3 =	vadd.s32 v11, v3;
	v4 =	vadd.s32 v6, v4;
	v6 =	vld [tilespmem:s17+$0x2310]  }
0xac: {  	v3 =	vadd.s32 v12, v3;
	v4 =	vadd.s32 v7, v4;
	v7 =	vld [tilespmem:s17+$0x2810]  }
0xad: {  	v3 =	vadd.s32 v13, v3;
	v4 =	vadd.s32 v8, v4;
	v8 =	vld [tilespmem:s17+$0x2D10]  }
0xae: {  	v3 =	vadd.s32 v62, v3;
	v4 =	vadd.s32 v9, v4;
	v9 =	vld [tilespmem:s17+$0x3210]  }
0xaf: {  	v10 =	vadd.s32 v63, v3;
	v4 =	vadd.s32 v5, v4;
	v3 =	vld [tilespmem:s17+$0x3710]  }
0xb0: {  	v5 =	vadd.s32 v16, v10;
	v6 =	vadd.s32 v6, v4;
	v4 =	vld [tilespmem:s17+$0x3C10]  }
0xb1: {  	v10 =	vadd.s32 v17, v5;
	v6 =	vadd.s32 v7, v6;
	v5 =	vld [tilespmem:s17+$0x4110]  }
0xb2: {  	v7 =	vadd.s32 v18, v10;
	v8 =	vadd.s32 v8, v6;
	v6 =	vld [tilespmem:s17+$0x4610]  }
0xb3: {  	s19 =	simm.s32 $0x20;
	s18 =	simm.s32 $0x0;
	[tilespmem:s16+$0xFFFFFFF0] =	vst v7;
	v8 =	vadd.s32 v9, v8;
	v7 =	vld [tilespmem:s17+$0x4B10];
	s17 =	simm.s32 $0x8020  }
.LBB2_8:
0xb4: {  	v9 =	vld [tilespmem:s17+$0x0];
	s20 =	sand.u32 $0x7E0, s19;
	s18 =	sadd.s32 $0x2, s18;
	v3 =	vadd.s32 v3, v8  }
0xb5: {  	v8 =	vld [tilespmem:s20+$0x8500];
	p0 =	slt.u32 s18, $0x4E;
	v3 =	vadd.s32 v4, v3  }
0xb6: {  	v4 =	vld [tilespmem:s20+$0x8A00];
	v3 =	vadd.s32 v5, v3  }
0xb7: {  	v5 =	vld [tilespmem:s20+$0x8F00];
	v3 =	vadd.s32 v6, v3  }
0xb8: {  	v6 =	vld [tilespmem:s20+$0x9400];
	v3 =	vadd.s32 v7, v3  }
0xb9: {  	v7 =	vld [tilespmem:s20+$0x9900];
	[tilespmem:s16+$0x0] =	vst v3  }
0xba: {  	v3 =	vadd.s32 v9, v8;
	v8 =	vld [tilespmem:s20+$0x9E00]  }
0xbb: {  	v3 =	vadd.s32 v4, v3;
	v4 =	vld [tilespmem:s20+$0xA300]  }
0xbc: {  	v3 =	vadd.s32 v5, v3;
	v5 =	vld [tilespmem:s20+$0xA800]  }
0xbd: {  	v3 =	vadd.s32 v6, v3;
	v6 =	vld [tilespmem:s20+$0xAD00]  }
0xbe: {  	v3 =	vadd.s32 v7, v3;
	v7 =	vld [tilespmem:s20+$0xB200]  }
0xbf: {  	v3 =	vadd.s32 v8, v3;
	v8 =	vld [tilespmem:s20+$0xB700]  }
0xc0: {  	v3 =	vadd.s32 v4, v3;
	v4 =	vld [tilespmem:s20+$0xBC00]  }
0xc1: {  	v3 =	vadd.s32 v5, v3;
	v5 =	vld [tilespmem:s20+$0xC100]  }
0xc2: {  	v3 =	vadd.s32 v6, v3;
	v6 =	vld [tilespmem:s20+$0xC600]  }
0xc3: {  	v3 =	vadd.s32 v7, v3;
	v7 =	vld [tilespmem:s20+$0xCB00]  }
0xc4: {  	v3 =	vadd.s32 v8, v3;
	v8 =	vld [tilespmem:s17+$0x10]  }
0xc5: {  	v3 =	vadd.s32 v4, v3;
	v4 =	vld [tilespmem:s17+$0x510]  }
0xc6: {  	v3 =	vadd.s32 v5, v3;
	v5 =	vld [tilespmem:s17+$0xA10]  }
0xc7: {  	v3 =	vadd.s32 v6, v3;
	v6 =	vld [tilespmem:s17+$0xF10]  }
0xc8: {  	s16 =	sadd.s32 $0x20, s16;
	v3 =	vadd.s32 v7, v3;
	v7 =	vld [tilespmem:s17+$0x1410]  }
0xc9: {  	[tilespmem:s16+$0xFFFFFFF0] =	vst v3;
	v3 =	vld [tilespmem:s17+$0x1910]  }
0xca: {  	v4 =	vadd.s32 v8, v4;
	v8 =	vld [tilespmem:s17+$0x1E10]  }
0xcb: {  	v4 =	vadd.s32 v5, v4;
	v5 =	vld [tilespmem:s17+$0x2310]  }
0xcc: {  	v4 =	vadd.s32 v6, v4;
	v6 =	vld [tilespmem:s17+$0x2810]  }
0xcd: {  	v4 =	vadd.s32 v7, v4;
	v7 =	vld [tilespmem:s17+$0x2D10]  }
0xce: {  	v3 =	vadd.s32 v3, v4;
	v9 =	vld [tilespmem:s17+$0x3210]  }
.Ltmp3:
0xcf: {  	v4 =	vadd.s32 v8, v3;
	v3 =	vld [tilespmem:s17+$0x3710];
	(pc) =	sbr.rel @p0 .LBB2_8-.Ltmp3, $4  }
0xd0: {  	v5 =	vadd.s32 v5, v4;
	v4 =	vld [tilespmem:s17+$0x3C10]  }
0xd1: {  	v6 =	vadd.s32 v6, v5;
	v5 =	vld [tilespmem:s17+$0x4110]  }
0xd2: {  	v7 =	vadd.s32 v7, v6;
	v6 =	vld [tilespmem:s17+$0x4610]  }
0xd3: {  	s19 =	sadd.s32 $0x20, s19;
	v8 =	vadd.s32 v9, v7;
	v7 =	vld [tilespmem:s17+$0x4B10];
	s17 =	sadd.s32 $0x20, s17  }
0xd4: {  	v3 =	vadd.s32 v3, v8  }
0xd5: {  	v3 =	vadd.s32 v4, v3  }
0xd6: {  	v3 =	vadd.s32 v5, v3  }
0xd7: {  	s15 =	sadd.s32 $0x1, s15;
	v3 =	vadd.s32 v6, v3  }
0xd8: {  	p0 =	sne.s32 s15, s6;
	v3 =	vadd.s32 v7, v3  }
.Ltmp4:
0xd9: {  	[tilespmem:s16+$0x0] =	vst v3;
	(pc) =	sbr.rel @p0 .LBB2_1-.Ltmp4, $4  }
0xda: {  	[hbm4b:s5+s11] =	stream.strided.scatter [tilespmem:s13], [sflag:$0x3], $0x500, s12, s11, $0x38;
	[tilespmem:$0xD500] =	vst v63  }
0xdb: {  	_ =	swait.ge [sflag:s14], $0x500  }
0xdc: {  	[sflag:s14] =	ssyncset.done $0x0  }
0xdd: {  	[sflag:s14] =	ssyncadd.s32 $0xFFFFFB00  }
0xde: {  	_ =	sfence.sel $0x180000  }
0xdf: {  	[bflag:$0x0] =	sbarrier.arrive $0xFFFF  }
0xe0: {  	p0 =	sne.s32 s1, $0x0;
	_ =	strace $0x9000004A  }
0xe1: {  	s0 =	sadd.s32 @!p0 $0x100000, s0;
	[bflag:$0x2] =	sbarrier.arrive $0xFFFF  }
0xe2: {  	[sflag:s0] =	ssyncadd.tile.s32 @!p0 $0x1;
	_ =	shalt  }
.Lfunc_end2:
_tile_overlayer_lowered:
.L_overlay_start_2:
0xe3: {  	(tag) =	ssettag $0x2  }
0xe4: {  	s0 =	rddreg [dreg:$0x0];
	s2 =	stileid.u32  }
0xe5: {  	s1 =	rddreg [dreg:$0x1];
	p0 =	sne.s32 s2, $0x0  }
0xe6: {  	s3 =	rddreg [dreg:$0x2];
	[bflag:$0x3] =	sbarrier.arrive $0xFFFF;
	s2 =	simm.s32 @!p0 $0x1C03  }
0xe7: {  	[timem:s3], [sflag:s2] =	dma.local @!p0 [hbm:s0], s1  }
0xe8: {  	s0 =	simm.s32 @!p0 $0x3  }
0xe9: {  	_ =	swait.ge @!p0 [sflag:s0], s1  }
0xea: {  	s1 =	ssub.s32 @!p0 $0x0, s1;
	[sflag:s0] =	ssyncset.done @!p0 $0x0  }
0xeb: {  	[sflag:s0] =	ssyncadd.s32 @!p0 s1  }
0xec: {  	[bflag:$0x3] =	sbarrier.arrive $0xFFFF  }
0xed: {  	_ =	shalt  }

</sc_bundles>
